<compile_context>
chip_gen: v7x
topology: tpu7x:2x2x1
jax: 0.10.2.dev20260603
libtpu: 0.0.44.dev20260713+nightly
codegen_flags: <defaults>
</compile_context>

<pallas_src>
import functools

import jax
import jax.numpy as jnp
import numpy as np
from jax import lax
from jax.experimental import pallas as pl
from jax.experimental.pallas import tpu as pltpu
from jax.experimental.pallas import tpu_sc as plsc

VOCAB = 100000
HIDDEN = 768
SEQ = 2048
BATCH = 4
SCALE = float(np.sqrt(HIDDEN))

NW = 32
S_W = SEQ // NW
S_C = 8
R_C = BATCH * S_C
NCHUNK = S_W // S_C
NV = HIDDEN // 16
NBUF = 2


def _sc_embed(ids, table, pos_emb):
    mesh = plsc.VectorSubcoreMesh(core_axis_name="c", subcore_axis_name="s")

    @functools.partial(
        pl.kernel,
        out_type=jax.ShapeDtypeStruct((BATCH, SEQ, HIDDEN), jnp.float32),
        mesh=mesh,
        scratch_types=[
            pltpu.VMEM((S_W * BATCH,), jnp.int32),
            pltpu.VMEM((NBUF, R_C, HIDDEN), jnp.float32),
            pltpu.VMEM((NBUF, S_C, HIDDEN), jnp.float32),
            pltpu.VMEM((NBUF, BATCH, S_C, HIDDEN), jnp.float32),
            pltpu.SemaphoreType.DMA,
            pltpu.SemaphoreType.DMA,
            pltpu.SemaphoreType.DMA,
        ],
    )
    def k(ids_hbm, table_hbm, pos_hbm, out_hbm, idx_r, rows_v, pos_v,
          res_v, sem_g, sem_p, sem_o):
        wid = lax.axis_index("s") * 2 + lax.axis_index("c")
        s_base = wid * S_W

        pltpu.sync_copy(
            ids_hbm.at[pl.ds(wid * (S_W * BATCH), S_W * BATCH)], idx_r
        )

        def issue_in(t, bf):
            pltpu.async_copy(
                table_hbm.at[idx_r.at[pl.ds(t * R_C, R_C)]], rows_v.at[bf],
                sem_g,
            )
            pltpu.async_copy(
                pos_hbm.at[pl.ds(s_base + t * S_C, S_C)], pos_v.at[bf], sem_p
            )

        for bf in range(NBUF):
            issue_in(bf, bf)

        def outer(g, _):
            for bf in range(NBUF):
                t = NBUF * g + bf
                pltpu.make_async_copy(
                    table_hbm.at[pl.ds(0, R_C)], rows_v.at[bf], sem_g
                ).wait()
                pltpu.make_async_copy(
                    pos_hbm.at[pl.ds(0, S_C)], pos_v.at[bf], sem_p
                ).wait()
                @pl.when(t >= NBUF)
                def _():
                    pltpu.make_async_copy(
                        res_v.at[bf], out_hbm.at[:, pl.ds(0, S_C)], sem_o
                    ).wait()

                def row_body(i, _):
                    @plsc.parallel_loop(0, HIDDEN, 16, unroll=2)
                    def _(o):
                        sl = pl.ds(pl.multiple_of(o, 16), 16)
                        p = pos_v[bf, i, sl]
                        for b in range(BATCH):
                            res_v[bf, b, i, sl] = (
                                rows_v[bf, b * S_C + i, sl] * SCALE + p
                            )

                    return 0

                lax.fori_loop(0, S_C, row_body, 0)

                pltpu.async_copy(
                    res_v.at[bf],
                    out_hbm.at[:, pl.ds(s_base + t * S_C, S_C)], sem_o,
                )

                @pl.when(t + NBUF < NCHUNK)
                def _():
                    issue_in(t + NBUF, bf)

            return 0

        lax.fori_loop(0, NCHUNK // NBUF, outer, 0)

        for bf in range(NBUF):
            pltpu.make_async_copy(
                res_v.at[bf], out_hbm.at[:, pl.ds(0, S_C)], sem_o
            ).wait()

    return k(ids, table, pos_emb)


def kernel(input_ids, table, pos_emb):
    ids = (
        input_ids.astype(jnp.int32)
        .reshape(BATCH, NW, NCHUNK, S_C)
        .transpose(1, 2, 0, 3)
        .reshape(-1)
    )
    return _sc_embed(ids, table, pos_emb)

# --- scband reference (transcript-rebuilt; emitter-appended) ---
"""Pipeline reference for scband-embedding-block-69114613729932 (READ-ONLY COPY).

The authoritative reference and input builder live on the scoring server;
editing this copy changes nothing except your own understanding.
"""

import jax, jax.numpy as jnp
import numpy as np

VOCAB = 100000
HIDDEN = 768
SEQ = 2048
BATCH = 4
PAD_IDX = 0
SCALE = float(np.sqrt(HIDDEN))


def setup_inputs(seed: int = 0) -> dict:
    key = jax.random.key(seed)
    k_ids, k_tab, k_pos = jax.random.split(key, 3)
    input_ids = jax.random.randint(k_ids, (BATCH, SEQ), 0, VOCAB, dtype=jnp.int64)
    table = jax.random.normal(k_tab, (VOCAB, HIDDEN), dtype=jnp.float32) * 0.02
    # padding_idx row is zero, matching nn.Embedding(padding_idx=...)
    table = table.at[PAD_IDX].set(0.0)
    pos_emb = jax.random.normal(k_pos, (SEQ, HIDDEN), dtype=jnp.float32) * 0.02
    return {"input_ids": input_ids, "table": table, "pos_emb": pos_emb}


def reference(input_ids, table, pos_emb):
    # enforce zero padding row (faithful to nn.Embedding padding_idx semantics)
    table_eff = table.at[PAD_IDX].set(jnp.zeros((HIDDEN,), dtype=table.dtype))
    tok = jnp.take(table_eff, input_ids, axis=0)  # [B, S, H] gather
    tok = tok * SCALE
    emb = tok + pos_emb[None, :, :]
    # dropout is identity in eval mode
    return emb

if __name__ == "__main__":
    import jax
    _d = setup_inputs()
    print(jax.jit(kernel)(*tuple(_d.values())))

</pallas_src>

<mosaic_0001>
#map = affine_map<(d0, d1) -> (0)>
#map1 = affine_map<(d0, d1) -> (0, 0)>
#map2 = affine_map<(d0, d1) -> (0, 0, 0)>
module attributes {stable_mosaic.version = 14 : i64} {
  func.func @k(%arg0: i32, %arg1: i32, %arg2: memref<8192xi32, #tpu.memory_space<hbm>>, %arg3: memref<100000x768xf32, #tpu.memory_space<hbm>>, %arg4: memref<2048x768xf32, #tpu.memory_space<hbm>>, %arg5: memref<4x2048x768xf32, #tpu.memory_space<hbm>>, %arg6: memref<256xi32, #tpu.memory_space<vmem>>, %arg7: memref<2x32x768xf32, #tpu.memory_space<vmem>>, %arg8: memref<2x8x768xf32, #tpu.memory_space<vmem>>, %arg9: memref<2x4x8x768xf32, #tpu.memory_space<vmem>>, %arg10: memref<!tpu.dma_semaphore, #tpu.memory_space<semaphore_mem>>, %arg11: memref<!tpu.dma_semaphore, #tpu.memory_space<semaphore_mem>>, %arg12: memref<!tpu.dma_semaphore, #tpu.memory_space<semaphore_mem>>) attributes {dimension_semantics = [#tpu.dimension_semantics<core_parallel>, #tpu.dimension_semantics<subcore_parallel>], iteration_bounds = array<i64: 2, 16>, scalar_prefetch = 0 : i64, scratch_operands = 7 : i64, tpu.core_type = #tpu.core_type<sc_vector_subcore>, window_params = [{transform_indices = #map}, {transform_indices = #map1}, {transform_indices = #map1}, {transform_indices = #map2}]} {
    %mul3A = arith.constant 2 : i32
    %mul3A_0 = arith.muli %arg1, %mul3A : i32
    %add3A = arith.addi %mul3A_0, %arg0 : i32
    %mul3A_1 = arith.constant 64 : i32
    %mul3A_2 = arith.muli %add3A, %mul3A_1 : i32
    %mul3A_3 = arith.constant 256 : i32
    %mul3A_4 = arith.muli %add3A, %mul3A_3 : i32
    "tpu.region"() ({
      %run_scoped3A = tpu.sem_alloc : memref<!tpu.dma_semaphore, #tpu.memory_space<semaphore_mem>>
      %dma_start3A_97 = tpu.memref_slice %arg2[%mul3A_4] : memref<8192xi32, #tpu.memory_space<hbm>> -> memref<256xi32, #tpu.memory_space<hbm>>
      %dma_start3A_98 = tpu.memref_slice %arg2[%mul3A_4] : memref<8192xi32, #tpu.memory_space<hbm>> -> memref<256xi32, #tpu.memory_space<hbm>>
      tpu.enqueue_dma source(%dma_start3A_98 : memref<256xi32, #tpu.memory_space<hbm>>) target(%arg6 : memref<256xi32, #tpu.memory_space<vmem>>) target_semaphore(%run_scoped3A : memref<!tpu.dma_semaphore, #tpu.memory_space<semaphore_mem>>)
      %dma_wait3A_99 = tpu.memref_slice %arg2[%mul3A_4] : memref<8192xi32, #tpu.memory_space<hbm>> -> memref<256xi32, #tpu.memory_space<hbm>>
      %dma_wait3A_100 = tpu.memref_slice %arg2[%mul3A_4] : memref<8192xi32, #tpu.memory_space<hbm>> -> memref<256xi32, #tpu.memory_space<hbm>>
      tpu.wait_dma2 semaphore(%run_scoped3A : memref<!tpu.dma_semaphore, #tpu.memory_space<semaphore_mem>>) src(%dma_wait3A_100 : memref<256xi32, #tpu.memory_space<hbm>>) dst(%arg6 : memref<256xi32, #tpu.memory_space<vmem>>)
      tpu.yield
    }) : () -> ()
    %dma_start3A = arith.constant 0 : i32
    %dma_start3A_5 = arith.constant 0 : i32
    %dma_start3A_6 = arith.constant 0 : i32
    %dma_start3A_7 = tpu.memref_slice %arg7[%dma_start3A, %dma_start3A_5, %dma_start3A_6] : memref<2x32x768xf32, #tpu.memory_space<vmem>> -> memref<1x32x768xf32, #tpu.memory_space<vmem>>
    %dma_start3A_8 = tpu.memref_squeeze %dma_start3A_7 : memref<1x32x768xf32, #tpu.memory_space<vmem>> -> memref<32x768xf32, #tpu.memory_space<vmem>>
    %dma_start3A_9 = arith.constant 0 : i32
    %dma_start3A_10 = tpu.memref_slice %arg6[%dma_start3A_9] : memref<256xi32, #tpu.memory_space<vmem>> -> memref<32xi32, #tpu.memory_space<vmem>>
    %dma_start3A_11 = arith.constant 0 : i32
    %dma_start3A_12 = arith.constant 0 : i32
    %dma_start3A_13 = tpu.memref_slice %arg3[%dma_start3A_11, %dma_start3A_12] : memref<100000x768xf32, #tpu.memory_space<hbm>> -> memref<100000x768xf32, #tpu.memory_space<hbm>>
    tpu.enqueue_indirect_dma source(%dma_start3A_13 : memref<100000x768xf32, #tpu.memory_space<hbm>>) target(%dma_start3A_8 : memref<32x768xf32, #tpu.memory_space<vmem>>) offsets(%dma_start3A_10 : memref<32xi32, #tpu.memory_space<vmem>>) semaphore(%arg10 : memref<!tpu.dma_semaphore, #tpu.memory_space<semaphore_mem>>)
    %add3A_14 = arith.constant 0 : i32
    %add3A_15 = arith.addi %mul3A_2, %add3A_14 : i32
    %dma_start3A_16 = arith.constant 0 : i32
    %dma_start3A_17 = arith.constant 0 : i32
    %dma_start3A_18 = arith.constant 0 : i32
    %dma_start3A_19 = tpu.memref_slice %arg8[%dma_start3A_16, %dma_start3A_17, %dma_start3A_18] : memref<2x8x768xf32, #tpu.memory_space<vmem>> -> memref<1x8x768xf32, #tpu.memory_space<vmem>>
    %dma_start3A_20 = tpu.memref_squeeze %dma_start3A_19 : memref<1x8x768xf32, #tpu.memory_space<vmem>> -> memref<8x768xf32, #tpu.memory_space<vmem>>
    %dma_start3A_21 = arith.constant 0 : i32
    %dma_start3A_22 = tpu.memref_slice %arg4[%add3A_15, %dma_start3A_21] : memref<2048x768xf32, #tpu.memory_space<hbm>> -> memref<8x768xf32, #tpu.memory_space<hbm>>
    %dma_start3A_23 = arith.constant 0 : i32
    %dma_start3A_24 = arith.constant 0 : i32
    %dma_start3A_25 = tpu.memref_slice %arg8[%dma_start3A_16, %dma_start3A_23, %dma_start3A_24] : memref<2x8x768xf32, #tpu.memory_space<vmem>> -> memref<1x8x768xf32, #tpu.memory_space<vmem>>
    %dma_start3A_26 = tpu.memref_squeeze %dma_start3A_25 : memref<1x8x768xf32, #tpu.memory_space<vmem>> -> memref<8x768xf32, #tpu.memory_space<vmem>>
    %dma_start3A_27 = arith.constant 0 : i32
    %dma_start3A_28 = tpu.memref_slice %arg4[%add3A_15, %dma_start3A_27] : memref<2048x768xf32, #tpu.memory_space<hbm>> -> memref<8x768xf32, #tpu.memory_space<hbm>>
    tpu.enqueue_dma source(%dma_start3A_28 : memref<8x768xf32, #tpu.memory_space<hbm>>) target(%dma_start3A_26 : memref<8x768xf32, #tpu.memory_space<vmem>>) target_semaphore(%arg11 : memref<!tpu.dma_semaphore, #tpu.memory_space<semaphore_mem>>)
    %dma_start3A_29 = arith.constant 1 : i32
    %dma_start3A_30 = arith.constant 0 : i32
    %dma_start3A_31 = arith.constant 0 : i32
    %dma_start3A_32 = tpu.memref_slice %arg7[%dma_start3A_29, %dma_start3A_30, %dma_start3A_31] : memref<2x32x768xf32, #tpu.memory_space<vmem>> -> memref<1x32x768xf32, #tpu.memory_space<vmem>>
    %dma_start3A_33 = tpu.memref_squeeze %dma_start3A_32 : memref<1x32x768xf32, #tpu.memory_space<vmem>> -> memref<32x768xf32, #tpu.memory_space<vmem>>
    %dma_start3A_34 = arith.constant 32 : i32
    %dma_start3A_35 = tpu.memref_slice %arg6[%dma_start3A_34] : memref<256xi32, #tpu.memory_space<vmem>> -> memref<32xi32, #tpu.memory_space<vmem>>
    %dma_start3A_36 = arith.constant 0 : i32
    %dma_start3A_37 = arith.constant 0 : i32
    %dma_start3A_38 = tpu.memref_slice %arg3[%dma_start3A_36, %dma_start3A_37] : memref<100000x768xf32, #tpu.memory_space<hbm>> -> memref<100000x768xf32, #tpu.memory_space<hbm>>
    tpu.enqueue_indirect_dma source(%dma_start3A_38 : memref<100000x768xf32, #tpu.memory_space<hbm>>) target(%dma_start3A_33 : memref<32x768xf32, #tpu.memory_space<vmem>>) offsets(%dma_start3A_35 : memref<32xi32, #tpu.memory_space<vmem>>) semaphore(%arg10 : memref<!tpu.dma_semaphore, #tpu.memory_space<semaphore_mem>>)
    %add3A_39 = arith.constant 8 : i32
    %add3A_40 = arith.addi %mul3A_2, %add3A_39 : i32
    %dma_start3A_41 = arith.constant 1 : i32
    %dma_start3A_42 = arith.constant 0 : i32
    %dma_start3A_43 = arith.constant 0 : i32
    %dma_start3A_44 = tpu.memref_slice %arg8[%dma_start3A_41, %dma_start3A_42, %dma_start3A_43] : memref<2x8x768xf32, #tpu.memory_space<vmem>> -> memref<1x8x768xf32, #tpu.memory_space<vmem>>
    %dma_start3A_45 = tpu.memref_squeeze %dma_start3A_44 : memref<1x8x768xf32, #tpu.memory_space<vmem>> -> memref<8x768xf32, #tpu.memory_space<vmem>>
    %dma_start3A_46 = arith.constant 0 : i32
    %dma_start3A_47 = tpu.memref_slice %arg4[%add3A_40, %dma_start3A_46] : memref<2048x768xf32, #tpu.memory_space<hbm>> -> memref<8x768xf32, #tpu.memory_space<hbm>>
    %dma_start3A_48 = arith.constant 0 : i32
    %dma_start3A_49 = arith.constant 0 : i32
    %dma_start3A_50 = tpu.memref_slice %arg8[%dma_start3A_41, %dma_start3A_48, %dma_start3A_49] : memref<2x8x768xf32, #tpu.memory_space<vmem>> -> memref<1x8x768xf32, #tpu.memory_space<vmem>>
    %dma_start3A_51 = tpu.memref_squeeze %dma_start3A_50 : memref<1x8x768xf32, #tpu.memory_space<vmem>> -> memref<8x768xf32, #tpu.memory_space<vmem>>
    %dma_start3A_52 = arith.constant 0 : i32
    %dma_start3A_53 = tpu.memref_slice %arg4[%add3A_40, %dma_start3A_52] : memref<2048x768xf32, #tpu.memory_space<hbm>> -> memref<8x768xf32, #tpu.memory_space<hbm>>
    tpu.enqueue_dma source(%dma_start3A_53 : memref<8x768xf32, #tpu.memory_space<hbm>>) target(%dma_start3A_51 : memref<8x768xf32, #tpu.memory_space<vmem>>) target_semaphore(%arg11 : memref<!tpu.dma_semaphore, #tpu.memory_space<semaphore_mem>>)
    %scan3A = arith.constant 0 : i32
    %scan3A_54 = arith.constant 0 : i32
    %scan3A_55 = arith.constant 4 : i32
    %scan3A_56 = arith.addi %scan3A_54, %scan3A_55 : i32
    %scan3A_57 = arith.constant 1 : i32
    %scan3A_58 = scf.for %scan3A_97 = %scan3A_54 to %scan3A_56 step %scan3A_57 iter_args(%scan3A_98 = %scan3A) -> (i32)  : i32 {
      %mul3A_99 = arith.constant 2 : i32
      %mul3A_100 = arith.muli %mul3A_99, %scan3A_97 : i32
      %add3A_101 = arith.constant 0 : i32
      %add3A_102 = arith.addi %mul3A_100, %add3A_101 : i32
      %dma_wait3A_103 = arith.constant 0 : i32
      %dma_wait3A_104 = arith.constant 0 : i32
      %dma_wait3A_105 = arith.constant 0 : i32
      %dma_wait3A_106 = tpu.memref_slice %arg7[%dma_wait3A_103, %dma_wait3A_104, %dma_wait3A_105] : memref<2x32x768xf32, #tpu.memory_space<vmem>> -> memref<1x32x768xf32, #tpu.memory_space<vmem>>
      %dma_wait3A_107 = tpu.memref_squeeze %dma_wait3A_106 : memref<1x32x768xf32, #tpu.memory_space<vmem>> -> memref<32x768xf32, #tpu.memory_space<vmem>>
      %dma_wait3A_108 = arith.constant 0 : i32
      %dma_wait3A_109 = arith.constant 0 : i32
      %dma_wait3A_110 = tpu.memref_slice %arg3[%dma_wait3A_108, %dma_wait3A_109] : memref<100000x768xf32, #tpu.memory_space<hbm>> -> memref<32x768xf32, #tpu.memory_space<hbm>>
      %dma_wait3A_111 = arith.constant 0 : i32
      %dma_wait3A_112 = arith.constant 0 : i32
      %dma_wait3A_113 = tpu.memref_slice %arg7[%dma_wait3A_103, %dma_wait3A_111, %dma_wait3A_112] : memref<2x32x768xf32, #tpu.memory_space<vmem>> -> memref<1x32x768xf32, #tpu.memory_space<vmem>>
      %dma_wait3A_114 = tpu.memref_squeeze %dma_wait3A_113 : memref<1x32x768xf32, #tpu.memory_space<vmem>> -> memref<32x768xf32, #tpu.memory_space<vmem>>
      %dma_wait3A_115 = arith.constant 0 : i32
      %dma_wait3A_116 = arith.constant 0 : i32
      %dma_wait3A_117 = tpu.memref_slice %arg3[%dma_wait3A_115, %dma_wait3A_116] : memref<100000x768xf32, #tpu.memory_space<hbm>> -> memref<32x768xf32, #tpu.memory_space<hbm>>
      tpu.wait_dma2 semaphore(%arg10 : memref<!tpu.dma_semaphore, #tpu.memory_space<semaphore_mem>>) src(%dma_wait3A_117 : memref<32x768xf32, #tpu.memory_space<hbm>>) dst(%dma_wait3A_114 : memref<32x768xf32, #tpu.memory_space<vmem>>)
      %dma_wait3A_118 = arith.constant 0 : i32
      %dma_wait3A_119 = arith.constant 0 : i32
      %dma_wait3A_120 = arith.constant 0 : i32
      %dma_wait3A_121 = tpu.memref_slice %arg8[%dma_wait3A_118, %dma_wait3A_119, %dma_wait3A_120] : memref<2x8x768xf32, #tpu.memory_space<vmem>> -> memref<1x8x768xf32, #tpu.memory_space<vmem>>
      %dma_wait3A_122 = tpu.memref_squeeze %dma_wait3A_121 : memref<1x8x768xf32, #tpu.memory_space<vmem>> -> memref<8x768xf32, #tpu.memory_space<vmem>>
      %dma_wait3A_123 = arith.constant 0 : i32
      %dma_wait3A_124 = arith.constant 0 : i32
      %dma_wait3A_125 = tpu.memref_slice %arg4[%dma_wait3A_123, %dma_wait3A_124] : memref<2048x768xf32, #tpu.memory_space<hbm>> -> memref<8x768xf32, #tpu.memory_space<hbm>>
      %dma_wait3A_126 = arith.constant 0 : i32
      %dma_wait3A_127 = arith.constant 0 : i32
      %dma_wait3A_128 = tpu.memref_slice %arg8[%dma_wait3A_118, %dma_wait3A_126, %dma_wait3A_127] : memref<2x8x768xf32, #tpu.memory_space<vmem>> -> memref<1x8x768xf32, #tpu.memory_space<vmem>>
      %dma_wait3A_129 = tpu.memref_squeeze %dma_wait3A_128 : memref<1x8x768xf32, #tpu.memory_space<vmem>> -> memref<8x768xf32, #tpu.memory_space<vmem>>
      %dma_wait3A_130 = arith.constant 0 : i32
      %dma_wait3A_131 = arith.constant 0 : i32
      %dma_wait3A_132 = tpu.memref_slice %arg4[%dma_wait3A_130, %dma_wait3A_131] : memref<2048x768xf32, #tpu.memory_space<hbm>> -> memref<8x768xf32, #tpu.memory_space<hbm>>
      tpu.wait_dma2 semaphore(%arg11 : memref<!tpu.dma_semaphore, #tpu.memory_space<semaphore_mem>>) src(%dma_wait3A_132 : memref<8x768xf32, #tpu.memory_space<hbm>>) dst(%dma_wait3A_129 : memref<8x768xf32, #tpu.memory_space<vmem>>)
      %ge3A = arith.constant 2 : i32
      %ge3A_133 = arith.cmpi sge, %add3A_102, %ge3A : i32
      %convert_element_type3A = arith.extui %ge3A_133 : i1 to i32
      %cond3A = arith.constant 0 : i32
      %cond3A_134 = arith.cmpi ne, %convert_element_type3A, %cond3A : i32
      scf.if %cond3A_134 {
        %dma_wait3A_242 = arith.constant 0 : i32
        %dma_wait3A_243 = arith.constant 0 : i32
        %dma_wait3A_244 = arith.constant 0 : i32
        %dma_wait3A_245 = arith.constant 0 : i32
        %dma_wait3A_246 = tpu.memref_slice %arg9[%dma_wait3A_242, %dma_wait3A_243, %dma_wait3A_244, %dma_wait3A_245] : memref<2x4x8x768xf32, #tpu.memory_space<vmem>> -> memref<1x4x8x768xf32, #tpu.memory_space<vmem>>
        %dma_wait3A_247 = tpu.memref_squeeze %dma_wait3A_246 : memref<1x4x8x768xf32, #tpu.memory_space<vmem>> -> memref<4x8x768xf32, #tpu.memory_space<vmem>>
        %dma_wait3A_248 = arith.constant 0 : i32
        %dma_wait3A_249 = arith.constant 0 : i32
        %dma_wait3A_250 = arith.constant 0 : i32
        %dma_wait3A_251 = tpu.memref_slice %arg5[%dma_wait3A_248, %dma_wait3A_249, %dma_wait3A_250] : memref<4x2048x768xf32, #tpu.memory_space<hbm>> -> memref<4x8x768xf32, #tpu.memory_space<hbm>>
        %dma_wait3A_252 = arith.constant 0 : i32
        %dma_wait3A_253 = arith.constant 0 : i32
        %dma_wait3A_254 = arith.constant 0 : i32
        %dma_wait3A_255 = tpu.memref_slice %arg5[%dma_wait3A_252, %dma_wait3A_253, %dma_wait3A_254] : memref<4x2048x768xf32, #tpu.memory_space<hbm>> -> memref<4x8x768xf32, #tpu.memory_space<hbm>>
        %dma_wait3A_256 = arith.constant 0 : i32
        %dma_wait3A_257 = arith.constant 0 : i32
        %dma_wait3A_258 = arith.constant 0 : i32
        %dma_wait3A_259 = tpu.memref_slice %arg9[%dma_wait3A_242, %dma_wait3A_256, %dma_wait3A_257, %dma_wait3A_258] : memref<2x4x8x768xf32, #tpu.memory_space<vmem>> -> memref<1x4x8x768xf32, #tpu.memory_space<vmem>>
        %dma_wait3A_260 = tpu.memref_squeeze %dma_wait3A_259 : memref<1x4x8x768xf32, #tpu.memory_space<vmem>> -> memref<4x8x768xf32, #tpu.memory_space<vmem>>
        tpu.wait_dma2 semaphore(%arg12 : memref<!tpu.dma_semaphore, #tpu.memory_space<semaphore_mem>>) src(%dma_wait3A_260 : memref<4x8x768xf32, #tpu.memory_space<vmem>>) dst(%dma_wait3A_255 : memref<4x8x768xf32, #tpu.memory_space<hbm>>)
      } else {
      }
      %scan3A_135 = arith.constant 0 : i32
      %scan3A_136 = arith.constant 0 : i32
      %scan3A_137 = arith.constant 8 : i32
      %scan3A_138 = arith.addi %scan3A_136, %scan3A_137 : i32
      %scan3A_139 = arith.constant 1 : i32
      %scan3A_140 = scf.for %scan3A_242 = %scan3A_136 to %scan3A_138 step %scan3A_139 iter_args(%scan3A_243 = %scan3A_135) -> (i32)  : i32 {
        %parallel_loop3A = arith.constant 0 : i32
        %parallel_loop3A_244 = arith.constant 768 : i32
        %parallel_loop3A_245 = arith.constant 16 : i32
        scf.for %parallel_loop3A_247 = %parallel_loop3A to %parallel_loop3A_244 step %parallel_loop3A_245  : i32 {
          %parallel_loop3A_248 = tpu.assume_multiple %parallel_loop3A_247, 16 : i32
          %parallel_loop3A_249 = arith.constant 0 : i32
          %parallel_loop3A_250 = arith.index_cast %parallel_loop3A_249 : i32 to index
          %parallel_loop3A_251 = arith.index_cast %scan3A_242 : i32 to index
          %parallel_loop3A_252 = arith.index_cast %parallel_loop3A_248 : i32 to index
          %parallel_loop3A_253 = tpu.vector_load %arg8[%parallel_loop3A_250, %parallel_loop3A_251, %parallel_loop3A_252] {strides = array<i32>} : memref<2x8x768xf32, #tpu.memory_space<vmem>>, vector<1x1x16xf32>,
          %parallel_loop3A_254 = vector.shape_cast %parallel_loop3A_253 : vector<1x1x16xf32> to vector<16xf32>
          %parallel_loop3A_255 = arith.constant 0 : i32
          %parallel_loop3A_256 = arith.addi %parallel_loop3A_255, %scan3A_242 : i32
          %parallel_loop3A_257 = arith.constant 0 : i32
          %parallel_loop3A_258 = arith.index_cast %parallel_loop3A_257 : i32 to index
          %parallel_loop3A_259 = arith.index_cast %parallel_loop3A_256 : i32 to index
          %parallel_loop3A_260 = arith.index_cast %parallel_loop3A_248 : i32 to index
          %parallel_loop3A_261 = tpu.vector_load %arg7[%parallel_loop3A_258, %parallel_loop3A_259, %parallel_loop3A_260] {strides = array<i32>} : memref<2x32x768xf32, #tpu.memory_space<vmem>>, vector<1x1x16xf32>,
          %parallel_loop3A_262 = vector.shape_cast %parallel_loop3A_261 : vector<1x1x16xf32> to vector<16xf32>
          %parallel_loop3A_263 = arith.constant 27.7128124 : f32
          %parallel_loop3A_264 = vector.broadcast %parallel_loop3A_263 : f32 to vector<16xf32>
          %parallel_loop3A_265 = arith.mulf %parallel_loop3A_262, %parallel_loop3A_264 : vector<16xf32>
          %parallel_loop3A_266 = arith.addf %parallel_loop3A_265, %parallel_loop3A_254 : vector<16xf32>
          %parallel_loop3A_267 = arith.constant 0 : i32
          %parallel_loop3A_268 = arith.constant 0 : i32
          %parallel_loop3A_269 = arith.index_cast %parallel_loop3A_267 : i32 to index
          %parallel_loop3A_270 = arith.index_cast %parallel_loop3A_268 : i32 to index
          %parallel_loop3A_271 = arith.index_cast %scan3A_242 : i32 to index
          %parallel_loop3A_272 = arith.index_cast %parallel_loop3A_248 : i32 to index
          %parallel_loop3A_273 = tpu.vector_load %arg9[%parallel_loop3A_269, %parallel_loop3A_270, %parallel_loop3A_271, %parallel_loop3A_272] {strides = array<i32>} : memref<2x4x8x768xf32, #tpu.memory_space<vmem>>, vector<1x1x1x16xf32>,
          %parallel_loop3A_274 = vector.shape_cast %parallel_loop3A_273 : vector<1x1x1x16xf32> to vector<16xf32>
          %parallel_loop3A_275 = vector.shape_cast %parallel_loop3A_266 : vector<16xf32> to vector<1x1x1x16xf32>
          tpu.vector_store %arg9[%parallel_loop3A_269, %parallel_loop3A_270, %parallel_loop3A_271, %parallel_loop3A_272], %parallel_loop3A_275 {strides = array<i32>} : memref<2x4x8x768xf32, #tpu.memory_space<vmem>>, vector<1x1x1x16xf32>,
          %parallel_loop3A_276 = arith.constant 8 : i32
          %parallel_loop3A_277 = arith.addi %parallel_loop3A_276, %scan3A_242 : i32
          %parallel_loop3A_278 = arith.constant 0 : i32
          %parallel_loop3A_279 = arith.index_cast %parallel_loop3A_278 : i32 to index
          %parallel_loop3A_280 = arith.index_cast %parallel_loop3A_277 : i32 to index
          %parallel_loop3A_281 = arith.index_cast %parallel_loop3A_248 : i32 to index
          %parallel_loop3A_282 = tpu.vector_load %arg7[%parallel_loop3A_279, %parallel_loop3A_280, %parallel_loop3A_281] {strides = array<i32>} : memref<2x32x768xf32, #tpu.memory_space<vmem>>, vector<1x1x16xf32>,
          %parallel_loop3A_283 = vector.shape_cast %parallel_loop3A_282 : vector<1x1x16xf32> to vector<16xf32>
          %parallel_loop3A_284 = arith.constant 27.7128124 : f32
          %parallel_loop3A_285 = vector.broadcast %parallel_loop3A_284 : f32 to vector<16xf32>
          %parallel_loop3A_286 = arith.mulf %parallel_loop3A_283, %parallel_loop3A_285 : vector<16xf32>
          %parallel_loop3A_287 = arith.addf %parallel_loop3A_286, %parallel_loop3A_254 : vector<16xf32>
          %parallel_loop3A_288 = arith.constant 0 : i32
          %parallel_loop3A_289 = arith.constant 1 : i32
          %parallel_loop3A_290 = arith.index_cast %parallel_loop3A_288 : i32 to index
          %parallel_loop3A_291 = arith.index_cast %parallel_loop3A_289 : i32 to index
          %parallel_loop3A_292 = arith.index_cast %scan3A_242 : i32 to index
          %parallel_loop3A_293 = arith.index_cast %parallel_loop3A_248 : i32 to index
          %parallel_loop3A_294 = tpu.vector_load %arg9[%parallel_loop3A_290, %parallel_loop3A_291, %parallel_loop3A_292, %parallel_loop3A_293] {strides = array<i32>} : memref<2x4x8x768xf32, #tpu.memory_space<vmem>>, vector<1x1x1x16xf32>,
          %parallel_loop3A_295 = vector.shape_cast %parallel_loop3A_294 : vector<1x1x1x16xf32> to vector<16xf32>
          %parallel_loop3A_296 = vector.shape_cast %parallel_loop3A_287 : vector<16xf32> to vector<1x1x1x16xf32>
          tpu.vector_store %arg9[%parallel_loop3A_290, %parallel_loop3A_291, %parallel_loop3A_292, %parallel_loop3A_293], %parallel_loop3A_296 {strides = array<i32>} : memref<2x4x8x768xf32, #tpu.memory_space<vmem>>, vector<1x1x1x16xf32>,
          %parallel_loop3A_297 = arith.constant 16 : i32
          %parallel_loop3A_298 = arith.addi %parallel_loop3A_297, %scan3A_242 : i32
          %parallel_loop3A_299 = arith.constant 0 : i32
          %parallel_loop3A_300 = arith.index_cast %parallel_loop3A_299 : i32 to index
          %parallel_loop3A_301 = arith.index_cast %parallel_loop3A_298 : i32 to index
          %parallel_loop3A_302 = arith.index_cast %parallel_loop3A_248 : i32 to index
          %parallel_loop3A_303 = tpu.vector_load %arg7[%parallel_loop3A_300, %parallel_loop3A_301, %parallel_loop3A_302] {strides = array<i32>} : memref<2x32x768xf32, #tpu.memory_space<vmem>>, vector<1x1x16xf32>,
          %parallel_loop3A_304 = vector.shape_cast %parallel_loop3A_303 : vector<1x1x16xf32> to vector<16xf32>
          %parallel_loop3A_305 = arith.constant 27.7128124 : f32
          %parallel_loop3A_306 = vector.broadcast %parallel_loop3A_305 : f32 to vector<16xf32>
          %parallel_loop3A_307 = arith.mulf %parallel_loop3A_304, %parallel_loop3A_306 : vector<16xf32>
          %parallel_loop3A_308 = arith.addf %parallel_loop3A_307, %parallel_loop3A_254 : vector<16xf32>
          %parallel_loop3A_309 = arith.constant 0 : i32
          %parallel_loop3A_310 = arith.constant 2 : i32
          %parallel_loop3A_311 = arith.index_cast %parallel_loop3A_309 : i32 to index
          %parallel_loop3A_312 = arith.index_cast %parallel_loop3A_310 : i32 to index
          %parallel_loop3A_313 = arith.index_cast %scan3A_242 : i32 to index
          %parallel_loop3A_314 = arith.index_cast %parallel_loop3A_248 : i32 to index
          %parallel_loop3A_315 = tpu.vector_load %arg9[%parallel_loop3A_311, %parallel_loop3A_312, %parallel_loop3A_313, %parallel_loop3A_314] {strides = array<i32>} : memref<2x4x8x768xf32, #tpu.memory_space<vmem>>, vector<1x1x1x16xf32>,
          %parallel_loop3A_316 = vector.shape_cast %parallel_loop3A_315 : vector<1x1x1x16xf32> to vector<16xf32>
          %parallel_loop3A_317 = vector.shape_cast %parallel_loop3A_308 : vector<16xf32> to vector<1x1x1x16xf32>
          tpu.vector_store %arg9[%parallel_loop3A_311, %parallel_loop3A_312, %parallel_loop3A_313, %parallel_loop3A_314], %parallel_loop3A_317 {strides = array<i32>} : memref<2x4x8x768xf32, #tpu.memory_space<vmem>>, vector<1x1x1x16xf32>,
          %parallel_loop3A_318 = arith.constant 24 : i32
          %parallel_loop3A_319 = arith.addi %parallel_loop3A_318, %scan3A_242 : i32
          %parallel_loop3A_320 = arith.constant 0 : i32
          %parallel_loop3A_321 = arith.index_cast %parallel_loop3A_320 : i32 to index
          %parallel_loop3A_322 = arith.index_cast %parallel_loop3A_319 : i32 to index
          %parallel_loop3A_323 = arith.index_cast %parallel_loop3A_248 : i32 to index
          %parallel_loop3A_324 = tpu.vector_load %arg7[%parallel_loop3A_321, %parallel_loop3A_322, %parallel_loop3A_323] {strides = array<i32>} : memref<2x32x768xf32, #tpu.memory_space<vmem>>, vector<1x1x16xf32>,
          %parallel_loop3A_325 = vector.shape_cast %parallel_loop3A_324 : vector<1x1x16xf32> to vector<16xf32>
          %parallel_loop3A_326 = arith.constant 27.7128124 : f32
          %parallel_loop3A_327 = vector.broadcast %parallel_loop3A_326 : f32 to vector<16xf32>
          %parallel_loop3A_328 = arith.mulf %parallel_loop3A_325, %parallel_loop3A_327 : vector<16xf32>
          %parallel_loop3A_329 = arith.addf %parallel_loop3A_328, %parallel_loop3A_254 : vector<16xf32>
          %parallel_loop3A_330 = arith.constant 0 : i32
          %parallel_loop3A_331 = arith.constant 3 : i32
          %parallel_loop3A_332 = arith.index_cast %parallel_loop3A_330 : i32 to index
          %parallel_loop3A_333 = arith.index_cast %parallel_loop3A_331 : i32 to index
          %parallel_loop3A_334 = arith.index_cast %scan3A_242 : i32 to index
          %parallel_loop3A_335 = arith.index_cast %parallel_loop3A_248 : i32 to index
          %parallel_loop3A_336 = tpu.vector_load %arg9[%parallel_loop3A_332, %parallel_loop3A_333, %parallel_loop3A_334, %parallel_loop3A_335] {strides = array<i32>} : memref<2x4x8x768xf32, #tpu.memory_space<vmem>>, vector<1x1x1x16xf32>,
          %parallel_loop3A_337 = vector.shape_cast %parallel_loop3A_336 : vector<1x1x1x16xf32> to vector<16xf32>
          %parallel_loop3A_338 = vector.shape_cast %parallel_loop3A_329 : vector<16xf32> to vector<1x1x1x16xf32>
          tpu.vector_store %arg9[%parallel_loop3A_332, %parallel_loop3A_333, %parallel_loop3A_334, %parallel_loop3A_335], %parallel_loop3A_338 {strides = array<i32>} : memref<2x4x8x768xf32, #tpu.memory_space<vmem>>, vector<1x1x1x16xf32>,
        } {sc.loop_unroll_factor = 2 : i64, sc.parallel_access}
        %scan3A_246 = arith.constant 0 : i32
        scf.yield %scan3A_246 : i32
      }
      %scan3A_141 = arith.constant 8 : i32
      %mul3A_142 = arith.constant 8 : i32
      %mul3A_143 = arith.muli %add3A_102, %mul3A_142 : i32
      %add3A_144 = arith.addi %mul3A_2, %mul3A_143 : i32
      %dma_start3A_145 = arith.constant 0 : i32
      %dma_start3A_146 = arith.constant 0 : i32
      %dma_start3A_147 = arith.constant 0 : i32
      %dma_start3A_148 = arith.constant 0 : i32
      %dma_start3A_149 = tpu.memref_slice %arg9[%dma_start3A_145, %dma_start3A_146, %dma_start3A_147, %dma_start3A_148] : memref<2x4x8x768xf32, #tpu.memory_space<vmem>> -> memref<1x4x8x768xf32, #tpu.memory_space<vmem>>
      %dma_start3A_150 = tpu.memref_squeeze %dma_start3A_149 : memref<1x4x8x768xf32, #tpu.memory_space<vmem>> -> memref<4x8x768xf32, #tpu.memory_space<vmem>>
      %dma_start3A_151 = arith.constant 0 : i32
      %dma_start3A_152 = arith.constant 0 : i32
      %dma_start3A_153 = tpu.memref_slice %arg5[%dma_start3A_151, %add3A_144, %dma_start3A_152] : memref<4x2048x768xf32, #tpu.memory_space<hbm>> -> memref<4x8x768xf32, #tpu.memory_space<hbm>>
      %dma_start3A_154 = arith.constant 0 : i32
      %dma_start3A_155 = arith.constant 0 : i32
      %dma_start3A_156 = tpu.memref_slice %arg5[%dma_start3A_154, %add3A_144, %dma_start3A_155] : memref<4x2048x768xf32, #tpu.memory_space<hbm>> -> memref<4x8x768xf32, #tpu.memory_space<hbm>>
      %dma_start3A_157 = arith.constant 0 : i32
      %dma_start3A_158 = arith.constant 0 : i32
      %dma_start3A_159 = arith.constant 0 : i32
      %dma_start3A_160 = tpu.memref_slice %arg9[%dma_start3A_145, %dma_start3A_157, %dma_start3A_158, %dma_start3A_159] : memref<2x4x8x768xf32, #tpu.memory_space<vmem>> -> memref<1x4x8x768xf32, #tpu.memory_space<vmem>>
      %dma_start3A_161 = tpu.memref_squeeze %dma_start3A_160 : memref<1x4x8x768xf32, #tpu.memory_space<vmem>> -> memref<4x8x768xf32, #tpu.memory_space<vmem>>
      tpu.enqueue_dma source(%dma_start3A_161 : memref<4x8x768xf32, #tpu.memory_space<vmem>>) target(%dma_start3A_156 : memref<4x8x768xf32, #tpu.memory_space<hbm>>) target_semaphore(%arg12 : memref<!tpu.dma_semaphore, #tpu.memory_space<semaphore_mem>>)
      %add3A_162 = arith.constant 2 : i32
      %add3A_163 = arith.addi %add3A_102, %add3A_162 : i32
      %lt3A = arith.constant 8 : i32
      %lt3A_164 = arith.cmpi slt, %add3A_163, %lt3A : i32
      %convert_element_type3A_165 = arith.extui %lt3A_164 : i1 to i32
      %cond3A_166 = arith.constant 0 : i32
      %cond3A_167 = arith.cmpi ne, %convert_element_type3A_165, %cond3A_166 : i32
      scf.if %cond3A_167 {
        %add3A_242 = arith.constant 2 : i32
        %add3A_243 = arith.addi %add3A_102, %add3A_242 : i32
        %mul3A_244 = arith.constant 32 : i32
        %mul3A_245 = arith.muli %add3A_243, %mul3A_244 : i32
        %dma_start3A_246 = arith.constant 0 : i32
        %dma_start3A_247 = arith.constant 0 : i32
        %dma_start3A_248 = arith.constant 0 : i32
        %dma_start3A_249 = tpu.memref_slice %arg7[%dma_start3A_246, %dma_start3A_247, %dma_start3A_248] : memref<2x32x768xf32, #tpu.memory_space<vmem>> -> memref<1x32x768xf32, #tpu.memory_space<vmem>>
        %dma_start3A_250 = tpu.memref_squeeze %dma_start3A_249 : memref<1x32x768xf32, #tpu.memory_space<vmem>> -> memref<32x768xf32, #tpu.memory_space<vmem>>
        %dma_start3A_251 = tpu.memref_slice %arg6[%mul3A_245] : memref<256xi32, #tpu.memory_space<vmem>> -> memref<32xi32, #tpu.memory_space<vmem>>
        %dma_start3A_252 = arith.constant 0 : i32
        %dma_start3A_253 = arith.constant 0 : i32
        %dma_start3A_254 = tpu.memref_slice %arg3[%dma_start3A_252, %dma_start3A_253] : memref<100000x768xf32, #tpu.memory_space<hbm>> -> memref<100000x768xf32, #tpu.memory_space<hbm>>
        tpu.enqueue_indirect_dma source(%dma_start3A_254 : memref<100000x768xf32, #tpu.memory_space<hbm>>) target(%dma_start3A_250 : memref<32x768xf32, #tpu.memory_space<vmem>>) offsets(%dma_start3A_251 : memref<32xi32, #tpu.memory_space<vmem>>) semaphore(%arg10 : memref<!tpu.dma_semaphore, #tpu.memory_space<semaphore_mem>>)
        %mul3A_255 = arith.constant 8 : i32
        %mul3A_256 = arith.muli %add3A_243, %mul3A_255 : i32
        %add3A_257 = arith.addi %mul3A_2, %mul3A_256 : i32
        %dma_start3A_258 = arith.constant 0 : i32
        %dma_start3A_259 = arith.constant 0 : i32
        %dma_start3A_260 = arith.constant 0 : i32
        %dma_start3A_261 = tpu.memref_slice %arg8[%dma_start3A_258, %dma_start3A_259, %dma_start3A_260] : memref<2x8x768xf32, #tpu.memory_space<vmem>> -> memref<1x8x768xf32, #tpu.memory_space<vmem>>
        %dma_start3A_262 = tpu.memref_squeeze %dma_start3A_261 : memref<1x8x768xf32, #tpu.memory_space<vmem>> -> memref<8x768xf32, #tpu.memory_space<vmem>>
        %dma_start3A_263 = arith.constant 0 : i32
        %dma_start3A_264 = tpu.memref_slice %arg4[%add3A_257, %dma_start3A_263] : memref<2048x768xf32, #tpu.memory_space<hbm>> -> memref<8x768xf32, #tpu.memory_space<hbm>>
        %dma_start3A_265 = arith.constant 0 : i32
        %dma_start3A_266 = arith.constant 0 : i32
        %dma_start3A_267 = tpu.memref_slice %arg8[%dma_start3A_258, %dma_start3A_265, %dma_start3A_266] : memref<2x8x768xf32, #tpu.memory_space<vmem>> -> memref<1x8x768xf32, #tpu.memory_space<vmem>>
        %dma_start3A_268 = tpu.memref_squeeze %dma_start3A_267 : memref<1x8x768xf32, #tpu.memory_space<vmem>> -> memref<8x768xf32, #tpu.memory_space<vmem>>
        %dma_start3A_269 = arith.constant 0 : i32
        %dma_start3A_270 = tpu.memref_slice %arg4[%add3A_257, %dma_start3A_269] : memref<2048x768xf32, #tpu.memory_space<hbm>> -> memref<8x768xf32, #tpu.memory_space<hbm>>
        tpu.enqueue_dma source(%dma_start3A_270 : memref<8x768xf32, #tpu.memory_space<hbm>>) target(%dma_start3A_268 : memref<8x768xf32, #tpu.memory_space<vmem>>) target_semaphore(%arg11 : memref<!tpu.dma_semaphore, #tpu.memory_space<semaphore_mem>>)
      } else {
      }
      %mul3A_168 = arith.constant 2 : i32
      %mul3A_169 = arith.muli %mul3A_168, %scan3A_97 : i32
      %add3A_170 = arith.constant 1 : i32
      %add3A_171 = arith.addi %mul3A_169, %add3A_170 : i32
      %dma_wait3A_172 = arith.constant 1 : i32
      %dma_wait3A_173 = arith.constant 0 : i32
      %dma_wait3A_174 = arith.constant 0 : i32
      %dma_wait3A_175 = tpu.memref_slice %arg7[%dma_wait3A_172, %dma_wait3A_173, %dma_wait3A_174] : memref<2x32x768xf32, #tpu.memory_space<vmem>> -> memref<1x32x768xf32, #tpu.memory_space<vmem>>
      %dma_wait3A_176 = tpu.memref_squeeze %dma_wait3A_175 : memref<1x32x768xf32, #tpu.memory_space<vmem>> -> memref<32x768xf32, #tpu.memory_space<vmem>>
      %dma_wait3A_177 = arith.constant 0 : i32
      %dma_wait3A_178 = arith.constant 0 : i32
      %dma_wait3A_179 = tpu.memref_slice %arg3[%dma_wait3A_177, %dma_wait3A_178] : memref<100000x768xf32, #tpu.memory_space<hbm>> -> memref<32x768xf32, #tpu.memory_space<hbm>>
      %dma_wait3A_180 = arith.constant 0 : i32
      %dma_wait3A_181 = arith.constant 0 : i32
      %dma_wait3A_182 = tpu.memref_slice %arg7[%dma_wait3A_172, %dma_wait3A_180, %dma_wait3A_181] : memref<2x32x768xf32, #tpu.memory_space<vmem>> -> memref<1x32x768xf32, #tpu.memory_space<vmem>>
      %dma_wait3A_183 = tpu.memref_squeeze %dma_wait3A_182 : memref<1x32x768xf32, #tpu.memory_space<vmem>> -> memref<32x768xf32, #tpu.memory_space<vmem>>
      %dma_wait3A_184 = arith.constant 0 : i32
      %dma_wait3A_185 = arith.constant 0 : i32
      %dma_wait3A_186 = tpu.memref_slice %arg3[%dma_wait3A_184, %dma_wait3A_185] : memref<100000x768xf32, #tpu.memory_space<hbm>> -> memref<32x768xf32, #tpu.memory_space<hbm>>
      tpu.wait_dma2 semaphore(%arg10 : memref<!tpu.dma_semaphore, #tpu.memory_space<semaphore_mem>>) src(%dma_wait3A_186 : memref<32x768xf32, #tpu.memory_space<hbm>>) dst(%dma_wait3A_183 : memref<32x768xf32, #tpu.memory_space<vmem>>)
      %dma_wait3A_187 = arith.constant 1 : i32
      %dma_wait3A_188 = arith.constant 0 : i32
      %dma_wait3A_189 = arith.constant 0 : i32
      %dma_wait3A_190 = tpu.memref_slice %arg8[%dma_wait3A_187, %dma_wait3A_188, %dma_wait3A_189] : memref<2x8x768xf32, #tpu.memory_space<vmem>> -> memref<1x8x768xf32, #tpu.memory_space<vmem>>
      %dma_wait3A_191 = tpu.memref_squeeze %dma_wait3A_190 : memref<1x8x768xf32, #tpu.memory_space<vmem>> -> memref<8x768xf32, #tpu.memory_space<vmem>>
      %dma_wait3A_192 = arith.constant 0 : i32
      %dma_wait3A_193 = arith.constant 0 : i32
      %dma_wait3A_194 = tpu.memref_slice %arg4[%dma_wait3A_192, %dma_wait3A_193] : memref<2048x768xf32, #tpu.memory_space<hbm>> -> memref<8x768xf32, #tpu.memory_space<hbm>>
      %dma_wait3A_195 = arith.constant 0 : i32
      %dma_wait3A_196 = arith.constant 0 : i32
      %dma_wait3A_197 = tpu.memref_slice %arg8[%dma_wait3A_187, %dma_wait3A_195, %dma_wait3A_196] : memref<2x8x768xf32, #tpu.memory_space<vmem>> -> memref<1x8x768xf32, #tpu.memory_space<vmem>>
      %dma_wait3A_198 = tpu.memref_squeeze %dma_wait3A_197 : memref<1x8x768xf32, #tpu.memory_space<vmem>> -> memref<8x768xf32, #tpu.memory_space<vmem>>
      %dma_wait3A_199 = arith.constant 0 : i32
      %dma_wait3A_200 = arith.constant 0 : i32
      %dma_wait3A_201 = tpu.memref_slice %arg4[%dma_wait3A_199, %dma_wait3A_200] : memref<2048x768xf32, #tpu.memory_space<hbm>> -> memref<8x768xf32, #tpu.memory_space<hbm>>
      tpu.wait_dma2 semaphore(%arg11 : memref<!tpu.dma_semaphore, #tpu.memory_space<semaphore_mem>>) src(%dma_wait3A_201 : memref<8x768xf32, #tpu.memory_space<hbm>>) dst(%dma_wait3A_198 : memref<8x768xf32, #tpu.memory_space<vmem>>)
      %ge3A_202 = arith.constant 2 : i32
      %ge3A_203 = arith.cmpi sge, %add3A_171, %ge3A_202 : i32
      %convert_element_type3A_204 = arith.extui %ge3A_203 : i1 to i32
      %cond3A_205 = arith.constant 0 : i32
      %cond3A_206 = arith.cmpi ne, %convert_element_type3A_204, %cond3A_205 : i32
      scf.if %cond3A_206 {
        %dma_wait3A_242 = arith.constant 1 : i32
        %dma_wait3A_243 = arith.constant 0 : i32
        %dma_wait3A_244 = arith.constant 0 : i32
        %dma_wait3A_245 = arith.constant 0 : i32
        %dma_wait3A_246 = tpu.memref_slice %arg9[%dma_wait3A_242, %dma_wait3A_243, %dma_wait3A_244, %dma_wait3A_245] : memref<2x4x8x768xf32, #tpu.memory_space<vmem>> -> memref<1x4x8x768xf32, #tpu.memory_space<vmem>>
        %dma_wait3A_247 = tpu.memref_squeeze %dma_wait3A_246 : memref<1x4x8x768xf32, #tpu.memory_space<vmem>> -> memref<4x8x768xf32, #tpu.memory_space<vmem>>
        %dma_wait3A_248 = arith.constant 0 : i32
        %dma_wait3A_249 = arith.constant 0 : i32
        %dma_wait3A_250 = arith.constant 0 : i32
        %dma_wait3A_251 = tpu.memref_slice %arg5[%dma_wait3A_248, %dma_wait3A_249, %dma_wait3A_250] : memref<4x2048x768xf32, #tpu.memory_space<hbm>> -> memref<4x8x768xf32, #tpu.memory_space<hbm>>
        %dma_wait3A_252 = arith.constant 0 : i32
        %dma_wait3A_253 = arith.constant 0 : i32
        %dma_wait3A_254 = arith.constant 0 : i32
        %dma_wait3A_255 = tpu.memref_slice %arg5[%dma_wait3A_252, %dma_wait3A_253, %dma_wait3A_254] : memref<4x2048x768xf32, #tpu.memory_space<hbm>> -> memref<4x8x768xf32, #tpu.memory_space<hbm>>
        %dma_wait3A_256 = arith.constant 0 : i32
        %dma_wait3A_257 = arith.constant 0 : i32
        %dma_wait3A_258 = arith.constant 0 : i32
        %dma_wait3A_259 = tpu.memref_slice %arg9[%dma_wait3A_242, %dma_wait3A_256, %dma_wait3A_257, %dma_wait3A_258] : memref<2x4x8x768xf32, #tpu.memory_space<vmem>> -> memref<1x4x8x768xf32, #tpu.memory_space<vmem>>
        %dma_wait3A_260 = tpu.memref_squeeze %dma_wait3A_259 : memref<1x4x8x768xf32, #tpu.memory_space<vmem>> -> memref<4x8x768xf32, #tpu.memory_space<vmem>>
        tpu.wait_dma2 semaphore(%arg12 : memref<!tpu.dma_semaphore, #tpu.memory_space<semaphore_mem>>) src(%dma_wait3A_260 : memref<4x8x768xf32, #tpu.memory_space<vmem>>) dst(%dma_wait3A_255 : memref<4x8x768xf32, #tpu.memory_space<hbm>>)
      } else {
      }
      %scan3A_207 = arith.constant 0 : i32
      %scan3A_208 = arith.constant 0 : i32
      %scan3A_209 = arith.constant 8 : i32
      %scan3A_210 = arith.addi %scan3A_208, %scan3A_209 : i32
      %scan3A_211 = arith.constant 1 : i32
      %scan3A_212 = scf.for %scan3A_242 = %scan3A_208 to %scan3A_210 step %scan3A_211 iter_args(%scan3A_243 = %scan3A_207) -> (i32)  : i32 {
        %parallel_loop3A = arith.constant 0 : i32
        %parallel_loop3A_244 = arith.constant 768 : i32
        %parallel_loop3A_245 = arith.constant 16 : i32
        scf.for %parallel_loop3A_247 = %parallel_loop3A to %parallel_loop3A_244 step %parallel_loop3A_245  : i32 {
          %parallel_loop3A_248 = tpu.assume_multiple %parallel_loop3A_247, 16 : i32
          %parallel_loop3A_249 = arith.constant 1 : i32
          %parallel_loop3A_250 = arith.index_cast %parallel_loop3A_249 : i32 to index
          %parallel_loop3A_251 = arith.index_cast %scan3A_242 : i32 to index
          %parallel_loop3A_252 = arith.index_cast %parallel_loop3A_248 : i32 to index
          %parallel_loop3A_253 = tpu.vector_load %arg8[%parallel_loop3A_250, %parallel_loop3A_251, %parallel_loop3A_252] {strides = array<i32>} : memref<2x8x768xf32, #tpu.memory_space<vmem>>, vector<1x1x16xf32>,
          %parallel_loop3A_254 = vector.shape_cast %parallel_loop3A_253 : vector<1x1x16xf32> to vector<16xf32>
          %parallel_loop3A_255 = arith.constant 0 : i32
          %parallel_loop3A_256 = arith.addi %parallel_loop3A_255, %scan3A_242 : i32
          %parallel_loop3A_257 = arith.constant 1 : i32
          %parallel_loop3A_258 = arith.index_cast %parallel_loop3A_257 : i32 to index
          %parallel_loop3A_259 = arith.index_cast %parallel_loop3A_256 : i32 to index
          %parallel_loop3A_260 = arith.index_cast %parallel_loop3A_248 : i32 to index
          %parallel_loop3A_261 = tpu.vector_load %arg7[%parallel_loop3A_258, %parallel_loop3A_259, %parallel_loop3A_260] {strides = array<i32>} : memref<2x32x768xf32, #tpu.memory_space<vmem>>, vector<1x1x16xf32>,
          %parallel_loop3A_262 = vector.shape_cast %parallel_loop3A_261 : vector<1x1x16xf32> to vector<16xf32>
          %parallel_loop3A_263 = arith.constant 27.7128124 : f32
          %parallel_loop3A_264 = vector.broadcast %parallel_loop3A_263 : f32 to vector<16xf32>
          %parallel_loop3A_265 = arith.mulf %parallel_loop3A_262, %parallel_loop3A_264 : vector<16xf32>
          %parallel_loop3A_266 = arith.addf %parallel_loop3A_265, %parallel_loop3A_254 : vector<16xf32>
          %parallel_loop3A_267 = arith.constant 1 : i32
          %parallel_loop3A_268 = arith.constant 0 : i32
          %parallel_loop3A_269 = arith.index_cast %parallel_loop3A_267 : i32 to index
          %parallel_loop3A_270 = arith.index_cast %parallel_loop3A_268 : i32 to index
          %parallel_loop3A_271 = arith.index_cast %scan3A_242 : i32 to index
          %parallel_loop3A_272 = arith.index_cast %parallel_loop3A_248 : i32 to index
          %parallel_loop3A_273 = tpu.vector_load %arg9[%parallel_loop3A_269, %parallel_loop3A_270, %parallel_loop3A_271, %parallel_loop3A_272] {strides = array<i32>} : memref<2x4x8x768xf32, #tpu.memory_space<vmem>>, vector<1x1x1x16xf32>,
          %parallel_loop3A_274 = vector.shape_cast %parallel_loop3A_273 : vector<1x1x1x16xf32> to vector<16xf32>
          %parallel_loop3A_275 = vector.shape_cast %parallel_loop3A_266 : vector<16xf32> to vector<1x1x1x16xf32>
          tpu.vector_store %arg9[%parallel_loop3A_269, %parallel_loop3A_270, %parallel_loop3A_271, %parallel_loop3A_272], %parallel_loop3A_275 {strides = array<i32>} : memref<2x4x8x768xf32, #tpu.memory_space<vmem>>, vector<1x1x1x16xf32>,
          %parallel_loop3A_276 = arith.constant 8 : i32
          %parallel_loop3A_277 = arith.addi %parallel_loop3A_276, %scan3A_242 : i32
          %parallel_loop3A_278 = arith.constant 1 : i32
          %parallel_loop3A_279 = arith.index_cast %parallel_loop3A_278 : i32 to index
          %parallel_loop3A_280 = arith.index_cast %parallel_loop3A_277 : i32 to index
          %parallel_loop3A_281 = arith.index_cast %parallel_loop3A_248 : i32 to index
          %parallel_loop3A_282 = tpu.vector_load %arg7[%parallel_loop3A_279, %parallel_loop3A_280, %parallel_loop3A_281] {strides = array<i32>} : memref<2x32x768xf32, #tpu.memory_space<vmem>>, vector<1x1x16xf32>,
          %parallel_loop3A_283 = vector.shape_cast %parallel_loop3A_282 : vector<1x1x16xf32> to vector<16xf32>
          %parallel_loop3A_284 = arith.constant 27.7128124 : f32
          %parallel_loop3A_285 = vector.broadcast %parallel_loop3A_284 : f32 to vector<16xf32>
          %parallel_loop3A_286 = arith.mulf %parallel_loop3A_283, %parallel_loop3A_285 : vector<16xf32>
          %parallel_loop3A_287 = arith.addf %parallel_loop3A_286, %parallel_loop3A_254 : vector<16xf32>
          %parallel_loop3A_288 = arith.constant 1 : i32
          %parallel_loop3A_289 = arith.constant 1 : i32
          %parallel_loop3A_290 = arith.index_cast %parallel_loop3A_288 : i32 to index
          %parallel_loop3A_291 = arith.index_cast %parallel_loop3A_289 : i32 to index
          %parallel_loop3A_292 = arith.index_cast %scan3A_242 : i32 to index
          %parallel_loop3A_293 = arith.index_cast %parallel_loop3A_248 : i32 to index
          %parallel_loop3A_294 = tpu.vector_load %arg9[%parallel_loop3A_290, %parallel_loop3A_291, %parallel_loop3A_292, %parallel_loop3A_293] {strides = array<i32>} : memref<2x4x8x768xf32, #tpu.memory_space<vmem>>, vector<1x1x1x16xf32>,
          %parallel_loop3A_295 = vector.shape_cast %parallel_loop3A_294 : vector<1x1x1x16xf32> to vector<16xf32>
          %parallel_loop3A_296 = vector.shape_cast %parallel_loop3A_287 : vector<16xf32> to vector<1x1x1x16xf32>
          tpu.vector_store %arg9[%parallel_loop3A_290, %parallel_loop3A_291, %parallel_loop3A_292, %parallel_loop3A_293], %parallel_loop3A_296 {strides = array<i32>} : memref<2x4x8x768xf32, #tpu.memory_space<vmem>>, vector<1x1x1x16xf32>,
          %parallel_loop3A_297 = arith.constant 16 : i32
          %parallel_loop3A_298 = arith.addi %parallel_loop3A_297, %scan3A_242 : i32
          %parallel_loop3A_299 = arith.constant 1 : i32
          %parallel_loop3A_300 = arith.index_cast %parallel_loop3A_299 : i32 to index
          %parallel_loop3A_301 = arith.index_cast %parallel_loop3A_298 : i32 to index
          %parallel_loop3A_302 = arith.index_cast %parallel_loop3A_248 : i32 to index
          %parallel_loop3A_303 = tpu.vector_load %arg7[%parallel_loop3A_300, %parallel_loop3A_301, %parallel_loop3A_302] {strides = array<i32>} : memref<2x32x768xf32, #tpu.memory_space<vmem>>, vector<1x1x16xf32>,
          %parallel_loop3A_304 = vector.shape_cast %parallel_loop3A_303 : vector<1x1x16xf32> to vector<16xf32>
          %parallel_loop3A_305 = arith.constant 27.7128124 : f32
          %parallel_loop3A_306 = vector.broadcast %parallel_loop3A_305 : f32 to vector<16xf32>
          %parallel_loop3A_307 = arith.mulf %parallel_loop3A_304, %parallel_loop3A_306 : vector<16xf32>
          %parallel_loop3A_308 = arith.addf %parallel_loop3A_307, %parallel_loop3A_254 : vector<16xf32>
          %parallel_loop3A_309 = arith.constant 1 : i32
          %parallel_loop3A_310 = arith.constant 2 : i32
          %parallel_loop3A_311 = arith.index_cast %parallel_loop3A_309 : i32 to index
          %parallel_loop3A_312 = arith.index_cast %parallel_loop3A_310 : i32 to index
          %parallel_loop3A_313 = arith.index_cast %scan3A_242 : i32 to index
          %parallel_loop3A_314 = arith.index_cast %parallel_loop3A_248 : i32 to index
          %parallel_loop3A_315 = tpu.vector_load %arg9[%parallel_loop3A_311, %parallel_loop3A_312, %parallel_loop3A_313, %parallel_loop3A_314] {strides = array<i32>} : memref<2x4x8x768xf32, #tpu.memory_space<vmem>>, vector<1x1x1x16xf32>,
          %parallel_loop3A_316 = vector.shape_cast %parallel_loop3A_315 : vector<1x1x1x16xf32> to vector<16xf32>
          %parallel_loop3A_317 = vector.shape_cast %parallel_loop3A_308 : vector<16xf32> to vector<1x1x1x16xf32>
          tpu.vector_store %arg9[%parallel_loop3A_311, %parallel_loop3A_312, %parallel_loop3A_313, %parallel_loop3A_314], %parallel_loop3A_317 {strides = array<i32>} : memref<2x4x8x768xf32, #tpu.memory_space<vmem>>, vector<1x1x1x16xf32>,
          %parallel_loop3A_318 = arith.constant 24 : i32
          %parallel_loop3A_319 = arith.addi %parallel_loop3A_318, %scan3A_242 : i32
          %parallel_loop3A_320 = arith.constant 1 : i32
          %parallel_loop3A_321 = arith.index_cast %parallel_loop3A_320 : i32 to index
          %parallel_loop3A_322 = arith.index_cast %parallel_loop3A_319 : i32 to index
          %parallel_loop3A_323 = arith.index_cast %parallel_loop3A_248 : i32 to index
          %parallel_loop3A_324 = tpu.vector_load %arg7[%parallel_loop3A_321, %parallel_loop3A_322, %parallel_loop3A_323] {strides = array<i32>} : memref<2x32x768xf32, #tpu.memory_space<vmem>>, vector<1x1x16xf32>,
          %parallel_loop3A_325 = vector.shape_cast %parallel_loop3A_324 : vector<1x1x16xf32> to vector<16xf32>
          %parallel_loop3A_326 = arith.constant 27.7128124 : f32
          %parallel_loop3A_327 = vector.broadcast %parallel_loop3A_326 : f32 to vector<16xf32>
          %parallel_loop3A_328 = arith.mulf %parallel_loop3A_325, %parallel_loop3A_327 : vector<16xf32>
          %parallel_loop3A_329 = arith.addf %parallel_loop3A_328, %parallel_loop3A_254 : vector<16xf32>
          %parallel_loop3A_330 = arith.constant 1 : i32
          %parallel_loop3A_331 = arith.constant 3 : i32
          %parallel_loop3A_332 = arith.index_cast %parallel_loop3A_330 : i32 to index
          %parallel_loop3A_333 = arith.index_cast %parallel_loop3A_331 : i32 to index
          %parallel_loop3A_334 = arith.index_cast %scan3A_242 : i32 to index
          %parallel_loop3A_335 = arith.index_cast %parallel_loop3A_248 : i32 to index
          %parallel_loop3A_336 = tpu.vector_load %arg9[%parallel_loop3A_332, %parallel_loop3A_333, %parallel_loop3A_334, %parallel_loop3A_335] {strides = array<i32>} : memref<2x4x8x768xf32, #tpu.memory_space<vmem>>, vector<1x1x1x16xf32>,
          %parallel_loop3A_337 = vector.shape_cast %parallel_loop3A_336 : vector<1x1x1x16xf32> to vector<16xf32>
          %parallel_loop3A_338 = vector.shape_cast %parallel_loop3A_329 : vector<16xf32> to vector<1x1x1x16xf32>
          tpu.vector_store %arg9[%parallel_loop3A_332, %parallel_loop3A_333, %parallel_loop3A_334, %parallel_loop3A_335], %parallel_loop3A_338 {strides = array<i32>} : memref<2x4x8x768xf32, #tpu.memory_space<vmem>>, vector<1x1x1x16xf32>,
        } {sc.loop_unroll_factor = 2 : i64, sc.parallel_access}
        %scan3A_246 = arith.constant 0 : i32
        scf.yield %scan3A_246 : i32
      }
      %scan3A_213 = arith.constant 8 : i32
      %mul3A_214 = arith.constant 8 : i32
      %mul3A_215 = arith.muli %add3A_171, %mul3A_214 : i32
      %add3A_216 = arith.addi %mul3A_2, %mul3A_215 : i32
      %dma_start3A_217 = arith.constant 1 : i32
      %dma_start3A_218 = arith.constant 0 : i32
      %dma_start3A_219 = arith.constant 0 : i32
      %dma_start3A_220 = arith.constant 0 : i32
      %dma_start3A_221 = tpu.memref_slice %arg9[%dma_start3A_217, %dma_start3A_218, %dma_start3A_219, %dma_start3A_220] : memref<2x4x8x768xf32, #tpu.memory_space<vmem>> -> memref<1x4x8x768xf32, #tpu.memory_space<vmem>>
      %dma_start3A_222 = tpu.memref_squeeze %dma_start3A_221 : memref<1x4x8x768xf32, #tpu.memory_space<vmem>> -> memref<4x8x768xf32, #tpu.memory_space<vmem>>
      %dma_start3A_223 = arith.constant 0 : i32
      %dma_start3A_224 = arith.constant 0 : i32
      %dma_start3A_225 = tpu.memref_slice %arg5[%dma_start3A_223, %add3A_216, %dma_start3A_224] : memref<4x2048x768xf32, #tpu.memory_space<hbm>> -> memref<4x8x768xf32, #tpu.memory_space<hbm>>
      %dma_start3A_226 = arith.constant 0 : i32
      %dma_start3A_227 = arith.constant 0 : i32
      %dma_start3A_228 = tpu.memref_slice %arg5[%dma_start3A_226, %add3A_216, %dma_start3A_227] : memref<4x2048x768xf32, #tpu.memory_space<hbm>> -> memref<4x8x768xf32, #tpu.memory_space<hbm>>
      %dma_start3A_229 = arith.constant 0 : i32
      %dma_start3A_230 = arith.constant 0 : i32
      %dma_start3A_231 = arith.constant 0 : i32
      %dma_start3A_232 = tpu.memref_slice %arg9[%dma_start3A_217, %dma_start3A_229, %dma_start3A_230, %dma_start3A_231] : memref<2x4x8x768xf32, #tpu.memory_space<vmem>> -> memref<1x4x8x768xf32, #tpu.memory_space<vmem>>
      %dma_start3A_233 = tpu.memref_squeeze %dma_start3A_232 : memref<1x4x8x768xf32, #tpu.memory_space<vmem>> -> memref<4x8x768xf32, #tpu.memory_space<vmem>>
      tpu.enqueue_dma source(%dma_start3A_233 : memref<4x8x768xf32, #tpu.memory_space<vmem>>) target(%dma_start3A_228 : memref<4x8x768xf32, #tpu.memory_space<hbm>>) target_semaphore(%arg12 : memref<!tpu.dma_semaphore, #tpu.memory_space<semaphore_mem>>)
      %add3A_234 = arith.constant 2 : i32
      %add3A_235 = arith.addi %add3A_171, %add3A_234 : i32
      %lt3A_236 = arith.constant 8 : i32
      %lt3A_237 = arith.cmpi slt, %add3A_235, %lt3A_236 : i32
      %convert_element_type3A_238 = arith.extui %lt3A_237 : i1 to i32
      %cond3A_239 = arith.constant 0 : i32
      %cond3A_240 = arith.cmpi ne, %convert_element_type3A_238, %cond3A_239 : i32
      scf.if %cond3A_240 {
        %add3A_242 = arith.constant 2 : i32
        %add3A_243 = arith.addi %add3A_171, %add3A_242 : i32
        %mul3A_244 = arith.constant 32 : i32
        %mul3A_245 = arith.muli %add3A_243, %mul3A_244 : i32
        %dma_start3A_246 = arith.constant 1 : i32
        %dma_start3A_247 = arith.constant 0 : i32
        %dma_start3A_248 = arith.constant 0 : i32
        %dma_start3A_249 = tpu.memref_slice %arg7[%dma_start3A_246, %dma_start3A_247, %dma_start3A_248] : memref<2x32x768xf32, #tpu.memory_space<vmem>> -> memref<1x32x768xf32, #tpu.memory_space<vmem>>
        %dma_start3A_250 = tpu.memref_squeeze %dma_start3A_249 : memref<1x32x768xf32, #tpu.memory_space<vmem>> -> memref<32x768xf32, #tpu.memory_space<vmem>>
        %dma_start3A_251 = tpu.memref_slice %arg6[%mul3A_245] : memref<256xi32, #tpu.memory_space<vmem>> -> memref<32xi32, #tpu.memory_space<vmem>>
        %dma_start3A_252 = arith.constant 0 : i32
        %dma_start3A_253 = arith.constant 0 : i32
        %dma_start3A_254 = tpu.memref_slice %arg3[%dma_start3A_252, %dma_start3A_253] : memref<100000x768xf32, #tpu.memory_space<hbm>> -> memref<100000x768xf32, #tpu.memory_space<hbm>>
        tpu.enqueue_indirect_dma source(%dma_start3A_254 : memref<100000x768xf32, #tpu.memory_space<hbm>>) target(%dma_start3A_250 : memref<32x768xf32, #tpu.memory_space<vmem>>) offsets(%dma_start3A_251 : memref<32xi32, #tpu.memory_space<vmem>>) semaphore(%arg10 : memref<!tpu.dma_semaphore, #tpu.memory_space<semaphore_mem>>)
        %mul3A_255 = arith.constant 8 : i32
        %mul3A_256 = arith.muli %add3A_243, %mul3A_255 : i32
        %add3A_257 = arith.addi %mul3A_2, %mul3A_256 : i32
        %dma_start3A_258 = arith.constant 1 : i32
        %dma_start3A_259 = arith.constant 0 : i32
        %dma_start3A_260 = arith.constant 0 : i32
        %dma_start3A_261 = tpu.memref_slice %arg8[%dma_start3A_258, %dma_start3A_259, %dma_start3A_260] : memref<2x8x768xf32, #tpu.memory_space<vmem>> -> memref<1x8x768xf32, #tpu.memory_space<vmem>>
        %dma_start3A_262 = tpu.memref_squeeze %dma_start3A_261 : memref<1x8x768xf32, #tpu.memory_space<vmem>> -> memref<8x768xf32, #tpu.memory_space<vmem>>
        %dma_start3A_263 = arith.constant 0 : i32
        %dma_start3A_264 = tpu.memref_slice %arg4[%add3A_257, %dma_start3A_263] : memref<2048x768xf32, #tpu.memory_space<hbm>> -> memref<8x768xf32, #tpu.memory_space<hbm>>
        %dma_start3A_265 = arith.constant 0 : i32
        %dma_start3A_266 = arith.constant 0 : i32
        %dma_start3A_267 = tpu.memref_slice %arg8[%dma_start3A_258, %dma_start3A_265, %dma_start3A_266] : memref<2x8x768xf32, #tpu.memory_space<vmem>> -> memref<1x8x768xf32, #tpu.memory_space<vmem>>
        %dma_start3A_268 = tpu.memref_squeeze %dma_start3A_267 : memref<1x8x768xf32, #tpu.memory_space<vmem>> -> memref<8x768xf32, #tpu.memory_space<vmem>>
        %dma_start3A_269 = arith.constant 0 : i32
        %dma_start3A_270 = tpu.memref_slice %arg4[%add3A_257, %dma_start3A_269] : memref<2048x768xf32, #tpu.memory_space<hbm>> -> memref<8x768xf32, #tpu.memory_space<hbm>>
        tpu.enqueue_dma source(%dma_start3A_270 : memref<8x768xf32, #tpu.memory_space<hbm>>) target(%dma_start3A_268 : memref<8x768xf32, #tpu.memory_space<vmem>>) target_semaphore(%arg11 : memref<!tpu.dma_semaphore, #tpu.memory_space<semaphore_mem>>)
      } else {
      }
      %scan3A_241 = arith.constant 0 : i32
      scf.yield %scan3A_241 : i32
    }
    %scan3A_59 = arith.constant 4 : i32
    %dma_wait3A = arith.constant 0 : i32
    %dma_wait3A_60 = arith.constant 0 : i32
    %dma_wait3A_61 = arith.constant 0 : i32
    %dma_wait3A_62 = arith.constant 0 : i32
    %dma_wait3A_63 = tpu.memref_slice %arg9[%dma_wait3A, %dma_wait3A_60, %dma_wait3A_61, %dma_wait3A_62] : memref<2x4x8x768xf32, #tpu.memory_space<vmem>> -> memref<1x4x8x768xf32, #tpu.memory_space<vmem>>
    %dma_wait3A_64 = tpu.memref_squeeze %dma_wait3A_63 : memref<1x4x8x768xf32, #tpu.memory_space<vmem>> -> memref<4x8x768xf32, #tpu.memory_space<vmem>>
    %dma_wait3A_65 = arith.constant 0 : i32
    %dma_wait3A_66 = arith.constant 0 : i32
    %dma_wait3A_67 = arith.constant 0 : i32
    %dma_wait3A_68 = tpu.memref_slice %arg5[%dma_wait3A_65, %dma_wait3A_66, %dma_wait3A_67] : memref<4x2048x768xf32, #tpu.memory_space<hbm>> -> memref<4x8x768xf32, #tpu.memory_space<hbm>>
    %dma_wait3A_69 = arith.constant 0 : i32
    %dma_wait3A_70 = arith.constant 0 : i32
    %dma_wait3A_71 = arith.constant 0 : i32
    %dma_wait3A_72 = tpu.memref_slice %arg5[%dma_wait3A_69, %dma_wait3A_70, %dma_wait3A_71] : memref<4x2048x768xf32, #tpu.memory_space<hbm>> -> memref<4x8x768xf32, #tpu.memory_space<hbm>>
    %dma_wait3A_73 = arith.constant 0 : i32
    %dma_wait3A_74 = arith.constant 0 : i32
    %dma_wait3A_75 = arith.constant 0 : i32
    %dma_wait3A_76 = tpu.memref_slice %arg9[%dma_wait3A, %dma_wait3A_73, %dma_wait3A_74, %dma_wait3A_75] : memref<2x4x8x768xf32, #tpu.memory_space<vmem>> -> memref<1x4x8x768xf32, #tpu.memory_space<vmem>>
    %dma_wait3A_77 = tpu.memref_squeeze %dma_wait3A_76 : memref<1x4x8x768xf32, #tpu.memory_space<vmem>> -> memref<4x8x768xf32, #tpu.memory_space<vmem>>
    tpu.wait_dma2 semaphore(%arg12 : memref<!tpu.dma_semaphore, #tpu.memory_space<semaphore_mem>>) src(%dma_wait3A_77 : memref<4x8x768xf32, #tpu.memory_space<vmem>>) dst(%dma_wait3A_72 : memref<4x8x768xf32, #tpu.memory_space<hbm>>)
    %dma_wait3A_78 = arith.constant 1 : i32
    %dma_wait3A_79 = arith.constant 0 : i32
    %dma_wait3A_80 = arith.constant 0 : i32
    %dma_wait3A_81 = arith.constant 0 : i32
    %dma_wait3A_82 = tpu.memref_slice %arg9[%dma_wait3A_78, %dma_wait3A_79, %dma_wait3A_80, %dma_wait3A_81] : memref<2x4x8x768xf32, #tpu.memory_space<vmem>> -> memref<1x4x8x768xf32, #tpu.memory_space<vmem>>
    %dma_wait3A_83 = tpu.memref_squeeze %dma_wait3A_82 : memref<1x4x8x768xf32, #tpu.memory_space<vmem>> -> memref<4x8x768xf32, #tpu.memory_space<vmem>>
    %dma_wait3A_84 = arith.constant 0 : i32
    %dma_wait3A_85 = arith.constant 0 : i32
    %dma_wait3A_86 = arith.constant 0 : i32
    %dma_wait3A_87 = tpu.memref_slice %arg5[%dma_wait3A_84, %dma_wait3A_85, %dma_wait3A_86] : memref<4x2048x768xf32, #tpu.memory_space<hbm>> -> memref<4x8x768xf32, #tpu.memory_space<hbm>>
    %dma_wait3A_88 = arith.constant 0 : i32
    %dma_wait3A_89 = arith.constant 0 : i32
    %dma_wait3A_90 = arith.constant 0 : i32
    %dma_wait3A_91 = tpu.memref_slice %arg5[%dma_wait3A_88, %dma_wait3A_89, %dma_wait3A_90] : memref<4x2048x768xf32, #tpu.memory_space<hbm>> -> memref<4x8x768xf32, #tpu.memory_space<hbm>>
    %dma_wait3A_92 = arith.constant 0 : i32
    %dma_wait3A_93 = arith.constant 0 : i32
    %dma_wait3A_94 = arith.constant 0 : i32
    %dma_wait3A_95 = tpu.memref_slice %arg9[%dma_wait3A_78, %dma_wait3A_92, %dma_wait3A_93, %dma_wait3A_94] : memref<2x4x8x768xf32, #tpu.memory_space<vmem>> -> memref<1x4x8x768xf32, #tpu.memory_space<vmem>>
    %dma_wait3A_96 = tpu.memref_squeeze %dma_wait3A_95 : memref<1x4x8x768xf32, #tpu.memory_space<vmem>> -> memref<4x8x768xf32, #tpu.memory_space<vmem>>
    tpu.wait_dma2 semaphore(%arg12 : memref<!tpu.dma_semaphore, #tpu.memory_space<semaphore_mem>>) src(%dma_wait3A_96 : memref<4x8x768xf32, #tpu.memory_space<vmem>>) dst(%dma_wait3A_91 : memref<4x8x768xf32, #tpu.memory_space<hbm>>)
    return
  }
}

</mosaic_0001>

<sc_bundles>
// kernel: kernel.3.cloned.1.call-start
scs
__scs_entry_jumppad:
0x0: {  	(pc) =	sbr.rel $0x88, $3  }
0x1: {  	(tag) =	ssettag $0x0;
	lr =	simm.s32 $0x1  }
0x2: {  	[smem:$0x3F9E] =	sst lr;
	_ =	strace $0xD0000000  }
0x3: {  	_ = 	snop  }
0x4: {  	_ = 	snop  }
0x5: {  	_ = 	snop  }
0x6: {  	_ = 	snop  }
0x7: {  	_ = 	snop  }
__scs_overlays_trampoline_lowered:
0x8: {  	[smem:$0x3FAD] =	sst s0  }
0x9: {  	[smem:$0x3FAE] =	sst s1  }
0xa: {  	[smem:$0x3FAF] =	sst s2  }
0xb: {  	[smem:$0x3FB0] =	sst s3  }
0xc: {  	[smem:$0x3FB1] =	sst s4  }
0xd: {  	[smem:$0x3FB2] =	sst s5  }
0xe: {  	[smem:$0x3FB3] =	sst s6  }
0xf: {  	[smem:$0x3FB4] =	sst s7  }
0x10: {  	[smem:$0x3FB5] =	sst s8  }
0x11: {  	[smem:$0x3FB6] =	sst s9;
	s0 =	simm.s32 @!p0 $0x0  }
0x12: {  	s1 =	sld [smem:$0x3F9C];
	s0 =	simm.s32 @p0 $0x1  }
0x13: {  	[smem:$0x3FB7] =	sst s0;
	s0 =	simm.s32 @!p1 $0x0  }
0x14: {  	s2 =	sld [smem:$0x3F9B];
	s0 =	simm.s32 @p1 $0x1  }
0x15: {  	[smem:$0x3FB8] =	sst s0;
	s0 =	simm.s32 @!p2 $0x0  }
0x16: {  	s3 =	sld [smem:$0x3FDB];
	s0 =	simm.s32 @p2 $0x1  }
0x17: {  	s4 =	simm.s32 $0x1BF5;
	[smem:$0x3FBA] =	sst s0  }
0x18: {  	s0 =	sld [smem:$0x3F9D];
	_ =	swait.ge [sflag:s4], $0x0  }
0x19: {  	s7 =	sld [smem:$0x3F9E]  }
0x1a: {  	s8 =	sadd.s32 $0xFFFFE003, lr  }
0x1b: {  	s9 =	sadd.s32 $0xFFFFFEF7, lr;
	s5 =	simm.s32 $0xFFFFFFFF;
	p2 =	slt.u32 s8, $0xFFFFF086  }
0x1c: {  	p1 =	slt.u32 s9, $0xF7A;
	s5 =	simm.s32 @!p2 $0x0  }
0x1d: {  	s5 =	simm.s32 @p1 $0x1;
	p0 =	seq.s32 s7, s2  }
0x1e: {  	s7 =	smul.u32 @!p0 $0xF7A, s2;
	p2 =	seq.s32 @!p0 s5, $0x0  }
0x1f: {  	s9 =	smul.u32 $0xF7A, s1;
	s8 =	simm.s32 @!p0 $0x1BF5;
	p2 =	por !p2, p0  }
0x20: {  	[sflag:s8] =	ssyncset.s32 @!p0 $0xFFFFF086;
	s6 =	sadd.s32 @!p0 s3, s7;
	s7 =	simm.s32 @!p0 $0x108  }
0x21: {  	s3 =	sadd.s32 s3, s9;
	s6 =	sadd.s32 @!p0 $0x88, s6;
	s7 =	simm.s32 @p2 $0x1082  }
0x22: {  	[simem:s7], [sflag:s8] =	dma.local @!p0 [hbm:s6], $0xF7A  }
0x23: {  	s9 =	sor.u32 $0xD0000000, s2;
	s6 =	simm.s32 $0x108;
	_ =	swait.ge @!p0 [sflag:s8], $0x0  }
0x24: {  	s3 =	sadd.s32 $0x88, s3;
	s6 =	simm.s32 @!p1 $0x1082;
	[sflag:s4] =	ssyncset.s32 $0xFFFFF086  }
0x25: {  	[simem:s6], [sflag:s4] =	dma.local [hbm:s3], $0xF7A  }
0x26: {  	[smem:$0x3F9E] =	sst s1;
	(tag) =	ssettag s2;
	_ =	strace s9  }
0x27: {  	s1 =	sld [smem:$0x3FAE]  }
0x28: {  	s2 =	sld [smem:$0x3FAF]  }
0x29: {  	s4 =	sld [smem:$0x3FB1]  }
0x2a: {  	p0 =	seq.s32 s5, $0x0;
	s5 =	sld [smem:$0x3FB2]  }
0x2b: {  	s6 =	sld [smem:$0x3FB3]  }
0x2c: {  	s7 =	sld [smem:$0x3FB4]  }
0x2d: {  	s3 =	simm.s32 $0x108;
	s8 =	sld [smem:$0x3FB5]  }
0x2e: {  	s3 =	simm.s32 @!p0 $0x1082;
	s9 =	sld [smem:$0x3FB6]  }
0x2f: {  	lr =	sadd.s32 s0, s3;
	s0 =	sld [smem:$0x3FAD]  }
0x30: {  	s3 =	sld [smem:$0x3FB0]  }
0x31: {  	[smem:$0x3FB9] =	sst s10  }
0x32: {  	s10 =	sld [smem:$0x3FB7];
	_ =	sdelay $0x3  }
0x33: {  	p0 =	seq.s32 s10, $0x1;
	s10 =	sld [smem:$0x3FB9];
	_ =	sdelay $0x3  }
0x34: {  	[smem:$0x3FB9] =	sst s10  }
0x35: {  	s10 =	sld [smem:$0x3FB8];
	_ =	sdelay $0x3  }
0x36: {  	p1 =	seq.s32 s10, $0x1;
	s10 =	sld [smem:$0x3FB9];
	_ =	sdelay $0x3  }
0x37: {  	[smem:$0x3FB9] =	sst s10  }
0x38: {  	s10 =	sld [smem:$0x3FBA]  }
0x39: {  	_ = 	snop;
	(pc) =	sbr.ind lr, $3  }
0x3a: {  	_ = 	snop  }
0x3b: {  	_ = 	snop  }
0x3c: {  	p2 =	seq.s32 s10, $0x1;
	s10 =	sld [smem:$0x3FB9]  }
0x3d: {  	_ =	shalt  }
0x3e: {  	_ =	shalt  }
0x3f: {  	_ =	shalt  }
0x40: {  	_ =	shalt  }
0x41: {  	_ =	shalt  }
0x42: {  	_ =	shalt  }
0x43: {  	_ =	shalt  }
0x44: {  	_ =	shalt  }
0x45: {  	_ =	shalt  }
0x46: {  	_ =	shalt  }
0x47: {  	_ =	shalt  }
0x48: {  	_ =	shalt  }
0x49: {  	_ =	shalt  }
0x4a: {  	_ =	shalt  }
0x4b: {  	_ =	shalt  }
0x4c: {  	_ =	shalt  }
0x4d: {  	_ =	shalt  }
0x4e: {  	_ =	shalt  }
0x4f: {  	_ =	shalt  }
0x50: {  	_ =	shalt  }
0x51: {  	_ =	shalt  }
0x52: {  	_ =	shalt  }
0x53: {  	_ =	shalt  }
0x54: {  	_ =	shalt  }
0x55: {  	_ =	shalt  }
0x56: {  	_ =	shalt  }
0x57: {  	_ =	shalt  }
0x58: {  	_ =	shalt  }
0x59: {  	_ =	shalt  }
0x5a: {  	_ =	shalt  }
0x5b: {  	_ =	shalt  }
0x5c: {  	_ =	shalt  }
0x5d: {  	_ =	shalt  }
0x5e: {  	_ =	shalt  }
0x5f: {  	_ =	shalt  }
0x60: {  	_ =	shalt  }
0x61: {  	_ =	shalt  }
0x62: {  	_ =	shalt  }
0x63: {  	_ =	shalt  }
0x64: {  	_ =	shalt  }
0x65: {  	_ =	shalt  }
0x66: {  	_ =	shalt  }
0x67: {  	_ =	shalt  }
0x68: {  	_ =	shalt  }
0x69: {  	_ =	shalt  }
0x6a: {  	_ =	shalt  }
0x6b: {  	_ =	shalt  }
0x6c: {  	_ =	shalt  }
0x6d: {  	_ =	shalt  }
0x6e: {  	_ =	shalt  }
0x6f: {  	_ =	shalt  }
0x70: {  	_ =	shalt  }
0x71: {  	_ =	shalt  }
0x72: {  	_ =	shalt  }
0x73: {  	_ =	shalt  }
0x74: {  	_ =	shalt  }
0x75: {  	_ =	shalt  }
0x76: {  	_ =	shalt  }
0x77: {  	_ =	shalt  }
0x78: {  	_ =	shalt  }
0x79: {  	_ =	shalt  }
0x7a: {  	_ =	shalt  }
0x7b: {  	_ =	shalt  }
0x7c: {  	_ =	shalt  }
0x7d: {  	_ =	shalt  }
0x7e: {  	_ =	shalt  }
0x7f: {  	_ =	shalt  }
0x80: {  	_ =	shalt  }
0x81: {  	_ =	shalt  }
0x82: {  	_ =	shalt  }
0x83: {  	_ =	shalt  }
0x84: {  	_ =	shalt  }
0x85: {  	_ =	shalt  }
0x86: {  	_ =	shalt  }
0x87: {  	_ =	shalt  }
.Lfunc_end0:
.L_simem_size_0:
called_computation_lowered:
.L_overlay_start_0:
0x88: {  	s2 =	sld [smem:$0x3FD9]  }
0x89: {  	s3 =	sld [smem:$0x3FFE];
	_ =	sdelay $0x1  }
0x8a: {  	s1 =	srdreg.scid  }
0x8b: {  	s0 =	sand.u32 $0x1, s1  }
0x8c: {  	s17 =	sshll.u32 s0, $0xA;
	s2 =	sadd.s32 s3, s2  }
0x8d: {  	s2 =	sadd.s32 s2, s17  }
0x8e: {  	[smem:$0x3FC5] =	sst s2  }
0x8f: {  	_ = 	snop  }
0x90: {  	s2 =	sld [smem:$0x3FC8]  }
0x91: {  	s18 =	sld [smem:$0x3FC7]  }
0x92: {  	s4 =	sld [smem:$0x3FD0];
	(tm) =	ssettm $0x1  }
0x93: {  	s5 =	sld [smem:$0x3FFB];
	_ =	sdelay $0x3  }
0x94: {  	_ =	strace s5  }
0x95: {  	s5 =	sld [smem:$0x3FFC];
	_ =	sdelay $0x3  }
0x96: {  	_ =	strace s5  }
0x97: {  	s5 =	sld [smem:$0x3FFD];
	_ =	sdelay $0x3  }
0x98: {  	_ =	strace s5  }
0x99: {  	_ =	strace $0x8FFFFFFF  }
0x9a: {  	s19 =	sld [smem:$0x3FDB];
	_ =	sdelay $0x1  }
0x9b: {  	s6 =	simm.s32 $_scs_section_size  }
0x9c: {  	s7 =	simm.s32 $_size__tile_overlayer_lowered;
	s8 =	simm.s32 $_tile_overlayer_lowered  }
0x9d: {  	s22 =	simm.s32 $0x1BFF;
	s21 =	sshll.u32 s8, $0x1;
	s5 =	sadd.s32 s6, s19  }
0x9e: {  	s9 =	simm.s32 $0x0;
	s20 =	sshll.u32 s7, $0x1;
	s7 =	sadd.s32 s21, s5  }
0x9f: {  	[timem:s9], [sflag:s22] =	dma.local [hbm:s7], s20  }
0xa0: {  	_ =	swait.ge [sflag:s22], s20  }
0xa1: {  	s6 =	ssub.s32 $0x0, s20;
	[sflag:s22] =	ssyncset.done $0x0  }
0xa2: {  	[sflag:s22] =	ssyncadd.s32 s6;
	_ =	sdelay $0x1  }
0xa3: {  	s23 =	simm.s32 $0x1B8B  }
0xa4: {  	_ =	swait.ge [sflag:s23], $0x1  }
0xa5: {  	[sflag:s23] =	ssyncset.done $0x0  }
0xa6: {  	s25 =	simm.s32 $0x1B8E;
	s24 =	sld [smem:$0x3FFE];
	[sflag:s23] =	ssyncadd.s32 $0xFFFFFFFF  }
0xa7: {  	s26 =	simm.s32 $execute0_lowered;
	[smem:$0x3FD2] =	sst s25  }
0xa8: {  	s7 =	sshll.u32 s26, $0x1;
	_ =	strace $0x80000046;
	[dreg:$0x1] =	wrdreg $0xFFFFFFFF  }
0xa9: {  	s28 =	simm.s32 $_size_execute0_lowered;
	s5 =	sadd.s32 s5, s7;
	[dreg:$0x0] =	wrdreg $0x0  }
0xaa: {  	s7 =	sshll.u32 s28, $0x1;
	[dreg:$0x2] =	wrdreg s5  }
0xab: {  	[dreg:$0x3] =	wrdreg s7  }
0xac: {  	[dreg:$0x4] =	wrdreg $0xC0  }
0xad: {  	_ =	task [dreg:s9], $0x5FFFF  }
0xae: {  	[dreg:$0x1] =	wrdreg $0xFFFFFFFF  }
0xaf: {  	[dreg:$0x0] =	wrdreg $0x60  }
0xb0: {  	[dreg:$0x2] =	wrdreg s24  }
0xb1: {  	[dreg:$0x3] =	wrdreg s2  }
0xb2: {  	[dreg:$0x4] =	wrdreg s18  }
0xb3: {  	[dreg:$0x5] =	wrdreg s4  }
0xb4: {  	[dreg:$0x6] =	wrdreg $0x9  }
0xb5: {  	_ =	task.clear_ibuf [dreg:s9], $0x7FFFF;
	_ =	strace $0x90000046  }
0xb6: {  	s29 =	simm.s32 $0x9;
	_ =	strace $0x80000048  }
0xb7: {  	_ =	swait.ge [sflag:s29], $0x1  }
0xb8: {  	[sflag:s29] =	ssyncadd.s32 $0xFFFFFFFF  }
0xb9: {  	_ =	strace $0x90000048  }
0xba: {  	_ =	sfence  }
0xbb: {  	s30 =	sld [smem:$0x0];
	_ =	sdelay $0x2  }
0xbc: {  	s31 =	sshll.u32 s1, $0xD;
	s1 =	sshrl.u32 s1, $0x2  }
0xbd: {  	s3 =	sand.u32 $0x4000, s31;
	s1 =	sadd.s32 s1, s30  }
0xbe: {  	s0 =	sor.u32 s3, s0;
	s1 =	sshll.u32 s1, $0x11  }
0xbf: {  	s0 =	sor.u32 s1, s0  }
0xc0: {  	s0 =	sadd.s32 $0x8F2B, s0  }
0xc1: {  	[sflag:s0] =	ssyncadd.remote.s32 $0x1  }
0xc2: {  	_ =	sfence.sel $0xFFFF  }
0xc3: {  	[dreg:$0x0] =	wrdreg $0xFFFFFFFF;
	(pc) =	sbr.abs _section_cstart, $3  }
0xc4: {  	[dreg:$0x1] =	wrdreg $0xFFFFFFFF  }
0xc5: {  	_ =	task.clear_ibuf [dreg:s9], $0x2FFFF;
	_ =	strace $0x9FFFFFFF  }
0xc6: {  	(tm) =	ssettm $0x7FFFFFFF  }
0xc7: {  	_ =	shalt  }
tec
execute0_lowered:
.L_overlay_start_1:
0x0: {  	(tag) =	ssettag $0x1  }
0x1: {  	s0 =	rddreg [dreg:$0x0]  }
0x2: {  	s1 =	rddreg [dreg:$0x1]  }
0x3: {  	s5 =	rddreg [dreg:$0x2]  }
0x4: {  	s7 =	rddreg [dreg:$0x3]  }
0x5: {  	s2 =	srdreg.scid;
	s3 =	stileid.u32;
	s4 =	simm.s32 $0x0  }
0x6: {  	s2 =	sand.u32 $0x1, s2;
	s3 =	sshll.u32 s3, $0x1;
	[smem:$0x7FF] =	sst s4  }
0x7: {  	s31 =	sadd.s32 $0x300, s7;
	s3 =	sor.u32 s2, s3;
	_ =	strace $0x80000047  }
0x8: {  	s2 =	ssub.s32 $0x2, s2;
	[dreg:$0xe] =	wrdreg s31;
	s24 =	sshll.u32 s3, $0x5  }
0x9: {  	s25 =	sshrl.u32 s2, $0x1;
	s6 =	smul.u32 $0x1800, s3;
	s26 =	sshll.u32 s3, $0x6  }
0xa: {  	s29 =	sshll.u32 s3, $0x3;
	s0 =	sadd.s32 s24, s0;
	[dreg:$0x8] =	wrdreg s26  }
.Ltmp0:
0xb: {  	[dreg:$0xc] =	wrdreg s29;
	s0 =	sadd.s32 $0x400, s0;
	(pc) =	sbr.rel .LBB2_1-.Ltmp0, $4  }
0xc: {  	s2 =	ssub.s32 s2, s25;
	s28 =	sadd.s32 s5, s6;
	[dreg:$0x9] =	wrdreg s0  }
0xd: {  	v2 =	vlaneseq.u32;
	s30 =	smax.u32 s2, $0x1;
	[dreg:$0xa] =	wrdreg s28  }
0xe: {  	vm0 =	vmmov $0xffff;
	s8 =	sadd.s32 $0x100, s1;
	v1 =	vshrl.u32 v2, $0x3;
	s0 =	sadd.s32 $0x300, s28;
	[dreg:$0xd] =	wrdreg s30  }
0xf: {  	s9 =	sadd.s32 $0x200, s1;
	v0 =	vand.u32 $0x7, v2;
	v2 =	vor.u32 $0x8, v2;
	v1 =	vmul.u32 $0x8, v1;
	s2 =	simm.s32 $0x0;
	[dreg:$0xb] =	wrdreg s0  }
.LBB2_12:
0x10: {  	s1 =	simm.s32 $0x3  }
0x11: {  	_ =	swait.ge [sflag:s1], $0x6000  }
0x12: {  	[sflag:s1] =	ssyncset.done $0x0  }
0x13: {  	[sflag:s1] =	ssyncadd.s32 $0xFFFFA000  }
0x14: {  	_ =	swait.ge [sflag:s1], $0x6000  }
0x15: {  	s2 =	rddreg [dreg:$0xf]  }
0x16: {  	s0 =	rddreg [dreg:$0xd];
	s2 =	sadd.s32 $0x1, s2  }
0x17: {  	p0 =	sne.s32 s2, s0  }
.Ltmp1:
0x18: {  	_ = 	snop;
	(pc) =	sbr.rel @!p0 .LBB2_13-.Ltmp1, $3  }
0x19: {  	_ =	sdelay $0x1  }
0x1a: {  	[sflag:s1] =	ssyncset.done $0x0  }
0x1b: {  	[sflag:s1] =	ssyncadd.s32 $0xFFFFA000  }
.LBB2_1:
0x1c: {  	[dreg:$0xf] =	wrdreg s2  }
0x1d: {  	s1 =	simm.s32 $0x0;
	s0 =	rddreg [dreg:$0x9];
	s30 =	simm.s32 $0x4  }
0x1e: {  	[tilespmem:s1], [sflag:$0x4] =	stream.linear.gather [hbm4b:s0+s1], $0x100, $0x38;
	[tilespmem:$0x1B100] =	vst v63  }
0x1f: {  	_ =	swait.ge [sflag:s30], $0x100  }
0x20: {  	[sflag:s30] =	ssyncset.done $0x0  }
0x21: {  	[sflag:s30] =	ssyncadd.s32 $0xFFFFFF00  }
0x22: {  	v3 =	vld [tilespmem:$0x0];
	_ =	sdelay $0x4  }
0x23: {  	v4 =	vshrl.u32 v3, $0x3  }
0x24: {  	v4 =	vmul.u32 $0x30, v4  }
0x25: {  	v3 =	vand.u32 $0x7, v3  }
0x26: {  	v3 =	vor.u32 v3, v4  }
0x27: {  	v4 =	vperm.xlane v3, v0;
	_ =	sdelay $0x1  }
0x28: {  	v4 =	vadd.s32 v1, v4;
	_ =	sdelay $0x3  }
0x29: {  	s31 =	simm.s32 $0x100;
	s0 =	rddreg [dreg:$0x1];
	v3 =	vperm.xlane v3, v2  }
0x2a: {  	[tilespmem:s31], [sflag:$0x1] =	stream.indirect_vreg.gather [hbm4b:s0+s1], $0x80, v4, vm0, $0xb8;
	[tilespmem:$0x1B100] =	vst v63  }
0x2b: {  	s3 =	simm.s32 $0x900;
	v3 =	vadd.s32 v1, v3  }
0x2c: {  	[tilespmem:s3], [sflag:$0x1] =	stream.indirect_vreg.gather [hbm4b:s8+s1], $0x80, v4, vm0, $0xb8;
	[tilespmem:$0x1B100] =	vst v63  }
0x2d: {  	s4 =	simm.s32 $0x1100  }
0x2e: {  	[tilespmem:s4], [sflag:$0x1] =	stream.indirect_vreg.gather [hbm4b:s9+s1], $0x80, v4, vm0, $0xb8;
	[tilespmem:$0x1B100] =	vst v63  }
0x2f: {  	s5 =	simm.s32 $0x1900  }
0x30: {  	[tilespmem:s5], [sflag:$0x1] =	stream.indirect_vreg.gather [hbm4b:s0+s1], $0x80, v3, vm0, $0xb8;
	[tilespmem:$0x1B100] =	vst v63  }
0x31: {  	s6 =	simm.s32 $0x2100  }
0x32: {  	[tilespmem:s6], [sflag:$0x1] =	stream.indirect_vreg.gather [hbm4b:s8+s1], $0x80, v3, vm0, $0xb8;
	[tilespmem:$0x1B100] =	vst v63  }
0x33: {  	s7 =	simm.s32 $0x2900  }
0x34: {  	[tilespmem:s7], [sflag:$0x1] =	stream.indirect_vreg.gather [hbm4b:s9+s1], $0x80, v3, vm0, $0xb8;
	[tilespmem:$0x1B100] =	vst v63  }
0x35: {  	v3 =	vld [tilespmem:$0x10];
	_ =	sdelay $0x4  }
0x36: {  	v61 =	vshrl.u32 v3, $0x3  }
0x37: {  	v4 =	vmul.u32 $0x30, v61  }
0x38: {  	v3 =	vand.u32 $0x7, v3  }
0x39: {  	v3 =	vor.u32 v3, v4  }
0x3a: {  	v4 =	vperm.xlane v3, v0;
	_ =	sdelay $0x1  }
0x3b: {  	v4 =	vadd.s32 v1, v4;
	_ =	sdelay $0x3  }
0x3c: {  	s10 =	simm.s32 $0x3100;
	v3 =	vperm.xlane v3, v2  }
0x3d: {  	[tilespmem:s10], [sflag:$0x1] =	stream.indirect_vreg.gather [hbm4b:s0+s1], $0x80, v4, vm0, $0xb8;
	[tilespmem:$0x1B100] =	vst v63  }
0x3e: {  	s11 =	simm.s32 $0x3900;
	v3 =	vadd.s32 v1, v3  }
0x3f: {  	[tilespmem:s11], [sflag:$0x1] =	stream.indirect_vreg.gather [hbm4b:s8+s1], $0x80, v4, vm0, $0xb8;
	[tilespmem:$0x1B100] =	vst v63  }
0x40: {  	s12 =	simm.s32 $0x4100  }
0x41: {  	[tilespmem:s12], [sflag:$0x1] =	stream.indirect_vreg.gather [hbm4b:s9+s1], $0x80, v4, vm0, $0xb8;
	[tilespmem:$0x1B100] =	vst v63  }
0x42: {  	s13 =	simm.s32 $0x4900  }
0x43: {  	[tilespmem:s13], [sflag:$0x1] =	stream.indirect_vreg.gather [hbm4b:s0+s1], $0x80, v3, vm0, $0xb8;
	[tilespmem:$0x1B100] =	vst v63  }
0x44: {  	s14 =	simm.s32 $0x5100  }
0x45: {  	[tilespmem:s14], [sflag:$0x1] =	stream.indirect_vreg.gather [hbm4b:s8+s1], $0x80, v3, vm0, $0xb8;
	[tilespmem:$0x1B100] =	vst v63  }
0x46: {  	s15 =	simm.s32 $0x5900  }
0x47: {  	[tilespmem:s15], [sflag:$0x1] =	stream.indirect_vreg.gather [hbm4b:s9+s1], $0x80, v3, vm0, $0xb8;
	[tilespmem:$0x1B100] =	vst v63  }
0x48: {  	s16 =	rddreg [dreg:$0xa];
	s3 =	simm.s32 $0xC100  }
0x49: {  	[tilespmem:s3], [sflag:$0x2] =	stream.linear.gather [hbm4b:s16+s1], $0x1800, $0x38;
	[tilespmem:$0x1B100] =	vst v63  }
0x4a: {  	v3 =	vld [tilespmem:$0x20];
	_ =	sdelay $0x4  }
0x4b: {  	v62 =	vshrl.u32 v3, $0x3  }
0x4c: {  	v4 =	vmul.u32 $0x30, v62  }
0x4d: {  	v3 =	vand.u32 $0x7, v3  }
0x4e: {  	v3 =	vor.u32 v3, v4  }
0x4f: {  	v4 =	vperm.xlane v3, v0;
	_ =	sdelay $0x1  }
0x50: {  	v4 =	vadd.s32 v1, v4;
	_ =	sdelay $0x3  }
0x51: {  	s17 =	simm.s32 $0x6100;
	v3 =	vperm.xlane v3, v2  }
0x52: {  	[tilespmem:s17], [sflag:$0x1] =	stream.indirect_vreg.gather [hbm4b:s0+s1], $0x80, v4, vm0, $0xb8;
	[tilespmem:$0x1B100] =	vst v63  }
0x53: {  	s18 =	simm.s32 $0x6900;
	v3 =	vadd.s32 v1, v3  }
0x54: {  	[tilespmem:s18], [sflag:$0x1] =	stream.indirect_vreg.gather [hbm4b:s8+s1], $0x80, v4, vm0, $0xb8;
	[tilespmem:$0x1B100] =	vst v63  }
0x55: {  	s19 =	simm.s32 $0x7100  }
0x56: {  	[tilespmem:s19], [sflag:$0x1] =	stream.indirect_vreg.gather [hbm4b:s9+s1], $0x80, v4, vm0, $0xb8;
	[tilespmem:$0x1B100] =	vst v63  }
0x57: {  	s20 =	simm.s32 $0x7900  }
0x58: {  	[tilespmem:s20], [sflag:$0x1] =	stream.indirect_vreg.gather [hbm4b:s0+s1], $0x80, v3, vm0, $0xb8;
	[tilespmem:$0x1B100] =	vst v63  }
0x59: {  	s21 =	simm.s32 $0x8100  }
0x5a: {  	[tilespmem:s21], [sflag:$0x1] =	stream.indirect_vreg.gather [hbm4b:s8+s1], $0x80, v3, vm0, $0xb8;
	[tilespmem:$0x1B100] =	vst v63  }
0x5b: {  	s22 =	simm.s32 $0x8900  }
0x5c: {  	[tilespmem:s22], [sflag:$0x1] =	stream.indirect_vreg.gather [hbm4b:s9+s1], $0x80, v3, vm0, $0xb8;
	[tilespmem:$0x1B100] =	vst v63  }
0x5d: {  	v3 =	vld [tilespmem:$0x30];
	_ =	sdelay $0x4  }
0x5e: {  	v63 =	vshrl.u32 v3, $0x3  }
0x5f: {  	v4 =	vmul.u32 $0x30, v63  }
0x60: {  	v3 =	vand.u32 $0x7, v3  }
0x61: {  	v3 =	vor.u32 v3, v4  }
0x62: {  	v4 =	vperm.xlane v3, v0;
	_ =	sdelay $0x1  }
0x63: {  	v4 =	vadd.s32 v1, v4;
	_ =	sdelay $0x3  }
0x64: {  	s23 =	simm.s32 $0x9100;
	v3 =	vperm.xlane v3, v2  }
0x65: {  	[tilespmem:s23], [sflag:$0x1] =	stream.indirect_vreg.gather [hbm4b:s0+s1], $0x80, v4, vm0, $0xb8;
	[tilespmem:$0x1B100] =	vst v63  }
0x66: {  	s24 =	simm.s32 $0x9900;
	v3 =	vadd.s32 v1, v3  }
0x67: {  	[tilespmem:s24], [sflag:$0x1] =	stream.indirect_vreg.gather [hbm4b:s8+s1], $0x80, v4, vm0, $0xb8;
	[tilespmem:$0x1B100] =	vst v63  }
0x68: {  	s25 =	simm.s32 $0xA100  }
0x69: {  	[tilespmem:s25], [sflag:$0x1] =	stream.indirect_vreg.gather [hbm4b:s9+s1], $0x80, v4, vm0, $0xb8;
	[tilespmem:$0x1B100] =	vst v63  }
0x6a: {  	s26 =	simm.s32 $0xA900  }
0x6b: {  	[tilespmem:s26], [sflag:$0x1] =	stream.indirect_vreg.gather [hbm4b:s0+s1], $0x80, v3, vm0, $0xb8;
	[tilespmem:$0x1B100] =	vst v63  }
0x6c: {  	s28 =	simm.s32 $0xB100  }
0x6d: {  	[tilespmem:s28], [sflag:$0x1] =	stream.indirect_vreg.gather [hbm4b:s8+s1], $0x80, v3, vm0, $0xb8;
	[tilespmem:$0x1B100] =	vst v63  }
0x6e: {  	s29 =	simm.s32 $0xB900  }
0x6f: {  	[tilespmem:s29], [sflag:$0x1] =	stream.indirect_vreg.gather [hbm4b:s9+s1], $0x80, v3, vm0, $0xb8;
	[tilespmem:$0x1B100] =	vst v63  }
0x70: {  	s30 =	rddreg [dreg:$0xb];
	s31 =	simm.s32 $0xD900  }
0x71: {  	[tilespmem:s31], [sflag:$0x2] =	stream.linear.gather [hbm4b:s30+s1], $0x1800, $0x38;
	[tilespmem:$0x1B100] =	vst v63  }
0x72: {  	s1 =	simm.s32 $0x0  }
.LBB2_2:
0x73: {  	s0 =	simm.s32 $0x1  }
0x74: {  	_ =	swait.ge [sflag:s0], $0x6000  }
0x75: {  	[sflag:s0] =	ssyncset.done $0x0  }
0x76: {  	s30 =	simm.s32 $0x2;
	[sflag:s0] =	ssyncadd.s32 $0xFFFFA000  }
0x77: {  	_ =	swait.ge [sflag:s30], $0x1800  }
0x78: {  	p1 =	seq.s32 s1, $0x0;
	[sflag:s30] =	ssyncset.done $0x0  }
0x79: {  	s0 =	simm.s32 @!p1 $0x3;
	[sflag:s30] =	ssyncadd.s32 $0xFFFFE800  }
0x7a: {  	s31 =	sshll.u32 s1, $0x1;
	_ =	swait.ge @!p1 [sflag:s0], $0x6000  }
0x7b: {  	s4 =	simm.s32 $0x0;
	[dreg:$0x10] =	wrdreg s1;
	[sflag:s0] =	ssyncset.done @!p1 $0x0  }
0x7c: {  	s10 =	simm.s32 $0x0;
	[dreg:$0x11] =	wrdreg s31;
	[sflag:s0] =	ssyncadd.s32 @!p1 $0xFFFFA000  }
.LBB2_3:
0x7d: {  	s0 =	simm.s32 $0x0  }
0x7e: {  	s20 =	sshll.u32 s10, $0x7;
	s2 =	sand.u32 $0x1C00, s4;
	s30 =	sand.u32 $0x60, s0  }
0x7f: {  	s3 =	sor.u32 s20, s2;
	s0 =	sor.u32 $0x10, s30  }
0x80: {  	s6 =	sor.u32 s0, s3  }
0x81: {  	s3 =	sor.u32 s30, s3;
	v5 =	vld [tilespmem:s6+$0x100]  }
0x82: {  	v6 =	vld [tilespmem:s3+$0x100]  }
0x83: {  	v3 =	vld [tilespmem:s6+$0xC100]  }
0x84: {  	v4 =	vld [tilespmem:s3+$0xC100];
	_ =	sdelay $0x1  }
0x85: {  	v5 =	vmul.f32 $2.771281240e+01, v5  }
0x86: {  	v6 =	vmul.f32 $2.771281240e+01, v6  }
0x87: {  	s23 =	sadd.s32 $0x1900, s20;
	v5 =	vadd.f32 v5, v3  }
0x88: {  	s7 =	simm.s32 $0x20;
	s12 =	simm.s32 $0x100;
	s11 =	sadd.s32 s2, s23;
	v6 =	vadd.f32 v6, v4  }
0x89: {  	s16 =	sand.u32 $0x60, s7;
	s31 =	sand.u32 $0x1C00, s12;
	s25 =	sadd.s32 s0, s11;
	[tilespmem:s6+$0xF100] =	vst v5  }
0x8a: {  	s26 =	sor.u32 s20, s31;
	s17 =	sor.u32 $0x10, s16;
	s1 =	sadd.s32 s30, s11;
	[tilespmem:s3+$0xF100] =	vst v6;
	v7 =	vld [tilespmem:s25+$0x0]  }
0x8b: {  	s5 =	sor.u32 s17, s26;
	v8 =	vld [tilespmem:s1+$0x0]  }
0x8c: {  	s15 =	sor.u32 s16, s26;
	v9 =	vld [tilespmem:s5+$0x100]  }
0x8d: {  	v10 =	vld [tilespmem:s15+$0x100]  }
0x8e: {  	v6 =	vld [tilespmem:s5+$0xC100]  }
0x8f: {  	v7 =	vmul.f32 $2.771281240e+01, v7  }
0x90: {  	s24 =	sadd.s32 $0x10900, s20;
	v5 =	vld [tilespmem:s15+$0xC100];
	v8 =	vmul.f32 $2.771281240e+01, v8  }
0x91: {  	s14 =	simm.s32 $0x200;
	s7 =	sadd.s32 $0x3100, s20;
	s19 =	sadd.s32 s2, s24;
	v9 =	vmul.f32 $2.771281240e+01, v9;
	v7 =	vadd.f32 v7, v3  }
0x92: {  	s21 =	sadd.s32 s2, s7;
	s13 =	sadd.s32 s0, s19;
	s18 =	sadd.s32 s30, s19;
	v8 =	vadd.f32 v8, v4  }
0x93: {  	s22 =	sadd.s32 s30, s21;
	s12 =	sadd.s32 s0, s21;
	v10 =	vmul.f32 $2.771281240e+01, v10;
	s6 =	simm.s32 $0x40;
	v9 =	vadd.f32 v9, v6;
	[tilespmem:s13+$0x0] =	vst v7  }
0x94: {  	s19 =	sand.u32 $0x1C00, s14;
	s25 =	sadd.s32 s31, s23;
	s21 =	sand.u32 $0x60, s6;
	[tilespmem:s18+$0x0] =	vst v8;
	v8 =	vld [tilespmem:s12+$0x0]  }
0x95: {  	s1 =	sor.u32 s20, s19;
	s26 =	sadd.s32 s17, s25;
	[tilespmem:s5+$0xF100] =	vst v9;
	v7 =	vadd.f32 v10, v5;
	s18 =	sor.u32 $0x10, s21;
	v9 =	vld [tilespmem:s22+$0x0]  }
0x96: {  	v10 =	vld [tilespmem:s26+$0x0];
	s29 =	sor.u32 s18, s1  }
0x97: {  	s5 =	sadd.s32 s16, s25;
	[tilespmem:s15+$0xF100] =	vst v7;
	v12 =	vld [tilespmem:s29+$0x100]  }
0x98: {  	s28 =	sor.u32 s21, s1;
	v11 =	vld [tilespmem:s5+$0x0]  }
0x99: {  	v13 =	vld [tilespmem:s28+$0x100];
	v8 =	vmul.f32 $2.771281240e+01, v8  }
0x9a: {  	s3 =	sadd.s32 $0x12100, s20;
	v7 =	vld [tilespmem:s29+$0xC100];
	v9 =	vmul.f32 $2.771281240e+01, v9  }
0x9b: {  	s11 =	sadd.s32 $0x4900, s20;
	s13 =	sadd.s32 s2, s3;
	v10 =	vmul.f32 $2.771281240e+01, v10;
	v14 =	vadd.f32 v8, v3  }
0x9c: {  	s26 =	sadd.s32 s31, s24;
	s25 =	sadd.s32 s0, s13;
	s15 =	sadd.s32 s2, s11;
	v9 =	vadd.f32 v9, v4;
	v8 =	vld [tilespmem:s28+$0xC100]  }
0x9d: {  	s22 =	sadd.s32 $0x13900, s20;
	s12 =	sadd.s32 s30, s13;
	s1 =	sadd.s32 s0, s15;
	v12 =	vmul.f32 $2.771281240e+01, v12;
	v10 =	vadd.f32 v10, v6;
	v11 =	vmul.f32 $2.771281240e+01, v11;
	[tilespmem:s25+$0x0] =	vst v14  }
0x9e: {  	s13 =	sadd.s32 s30, s15;
	s5 =	sadd.s32 s31, s7;
	s15 =	sadd.s32 s17, s26;
	[tilespmem:s12+$0x0] =	vst v9;
	v9 =	vld [tilespmem:s1+$0x0]  }
0x9f: {  	v13 =	vmul.f32 $2.771281240e+01, v13;
	s26 =	sadd.s32 s16, s26;
	[tilespmem:s15+$0x0] =	vst v10;
	v12 =	vadd.f32 v12, v7;
	v11 =	vadd.f32 v11, v5;
	s25 =	sadd.s32 s16, s5;
	v10 =	vld [tilespmem:s13+$0x0];
	s13 =	sadd.s32 s17, s5  }
.LBB2_4:
0xa0: {  	s6 =	sadd.s32 $0x20, s6;
	s1 =	sadd.s32 s19, s23;
	s14 =	sadd.s32 $0x100, s14  }
0xa1: {  	v13 =	vadd.f32 v13, v8;
	[tilespmem:s26+$0x0] =	vst v11;
	v11 =	vld [tilespmem:s13+$0x0];
	s13 =	smov.u32 s19;
	s26 =	smov.u32 s0;
	s0 =	smov.u32 s17  }
0xa2: {  	s12 =	sand.u32 $0x60, s6;
	s19 =	sand.u32 $0x1C00, s14;
	[tilespmem:s29+$0xF100] =	vst v12;
	s17 =	sadd.s32 s18, s1;
	v12 =	vld [tilespmem:s25+$0x0]  }
0xa3: {  	s1 =	sadd.s32 s21, s1;
	s25 =	sor.u32 s20, s19;
	s5 =	sor.u32 $0x10, s12;
	[tilespmem:s28+$0xF100] =	vst v13;
	v13 =	vld [tilespmem:s17+$0x0]  }
0xa4: {  	p0 =	slt.u32 s6, $0x2E0;
	s28 =	sor.u32 s12, s25;
	s29 =	sor.u32 s5, s25;
	v14 =	vld [tilespmem:s1+$0x0];
	v9 =	vmul.f32 $2.771281240e+01, v9  }
0xa5: {  	s17 =	smov.u32 s18;
	s18 =	smov.u32 s5;
	v15 =	vld [tilespmem:s29+$0x100];
	v10 =	vmul.f32 $2.771281240e+01, v10  }
0xa6: {  	s1 =	sadd.s32 s2, s22;
	s2 =	smov.u32 s31;
	s31 =	smov.u32 s13;
	v16 =	vld [tilespmem:s28+$0x100];
	v11 =	vmul.f32 $2.771281240e+01, v11;
	v9 =	vadd.f32 v9, v3;
	v3 =	vmovc v6;
	v6 =	vmov v7  }
0xa7: {  	s5 =	sadd.s32 s30, s1;
	s1 =	sadd.s32 s26, s1;
	s30 =	smov.u32 s16;
	v7 =	vld [tilespmem:s29+$0xC100];
	v12 =	vmul.f32 $2.771281240e+01, v12;
	v10 =	vadd.f32 v10, v4;
	v4 =	vmovc v5;
	v5 =	vmov v8  }
.Ltmp2:
0xa8: {  	s13 =	sadd.s32 s2, s3;
	s16 =	smov.u32 s21;
	v8 =	vld [tilespmem:s28+$0xC100];
	v13 =	vmul.f32 $2.771281240e+01, v13;
	v11 =	vadd.f32 v11, v3;
	[tilespmem:s1+$0x0] =	vst v9;
	(pc) =	sbr.rel @p0 .LBB2_4-.Ltmp2, $4  }
0xa9: {  	s21 =	sadd.s32 s2, s11;
	s1 =	sadd.s32 s30, s13;
	s13 =	sadd.s32 s0, s13;
	v9 =	vmul.f32 $2.771281240e+01, v14;
	v12 =	vadd.f32 v12, v4;
	[tilespmem:s5+$0x0] =	vst v10  }
0xaa: {  	s15 =	sadd.s32 s30, s21;
	s5 =	sadd.s32 s31, s24;
	v10 =	vmul.f32 $2.771281240e+01, v15;
	v14 =	vadd.f32 v13, v6;
	[tilespmem:s13+$0x0] =	vst v11;
	s13 =	sadd.s32 s0, s21  }
0xab: {  	s26 =	sadd.s32 s16, s5;
	s21 =	sadd.s32 s31, s7;
	s5 =	sadd.s32 s17, s5;
	v13 =	vmul.f32 $2.771281240e+01, v16;
	v11 =	vadd.f32 v9, v5;
	[tilespmem:s1+$0x0] =	vst v12;
	v9 =	vld [tilespmem:s13+$0x0]  }
0xac: {  	s25 =	sadd.s32 s16, s21;
	s13 =	sadd.s32 s17, s21;
	s21 =	smov.u32 s12;
	v12 =	vadd.f32 v10, v7;
	[tilespmem:s5+$0x0] =	vst v14;
	v10 =	vld [tilespmem:s15+$0x0]  }
0xad: {  	v13 =	vadd.f32 v13, v8;
	s1 =	sadd.s32 s19, s23  }
0xae: {  	[tilespmem:s29+$0xF100] =	vst v12;
	s5 =	sadd.s32 s18, s1  }
0xaf: {  	s1 =	sadd.s32 s21, s1;
	[tilespmem:s28+$0xF100] =	vst v13;
	v12 =	vld [tilespmem:s5+$0x0]  }
0xb0: {  	v13 =	vld [tilespmem:s1+$0x0];
	_ =	sdelay $0x3  }
0xb1: {  	v12 =	vmul.f32 $2.771281240e+01, v12  }
0xb2: {  	v13 =	vmul.f32 $2.771281240e+01, v13  }
0xb3: {  	[tilespmem:s26+$0x0] =	vst v11;
	v55 =	vld [tilespmem:s13+$0x0];
	s28 =	sadd.s32 s19, s24;
	v12 =	vadd.f32 v12, v7  }
0xb4: {  	s29 =	sadd.s32 s19, s7;
	v14 =	vld [tilespmem:s25+$0x0];
	s6 =	sadd.s32 s18, s28;
	v13 =	vadd.f32 v13, v8  }
0xb5: {  	s7 =	sadd.s32 s18, s29;
	s1 =	sadd.s32 s21, s28;
	[tilespmem:s6+$0x0] =	vst v12  }
0xb6: {  	s5 =	sadd.s32 s21, s29;
	[tilespmem:s1+$0x0] =	vst v13;
	v12 =	vld [tilespmem:s7+$0x0]  }
0xb7: {  	v13 =	vld [tilespmem:s5+$0x0]  }
0xb8: {  	v11 =	vmul.f32 $2.771281240e+01, v55  }
0xb9: {  	v14 =	vmul.f32 $2.771281240e+01, v14  }
0xba: {  	s12 =	sadd.s32 s31, s3;
	v11 =	vadd.f32 v11, v6  }
0xbb: {  	s13 =	sadd.s32 s31, s11;
	s14 =	sadd.s32 s17, s12;
	v14 =	vadd.f32 v14, v5;
	v12 =	vmul.f32 $2.771281240e+01, v12  }
0xbc: {  	s15 =	sadd.s32 s17, s13;
	[tilespmem:s14+$0x0] =	vst v11;
	s1 =	sadd.s32 s16, s12;
	v13 =	vmul.f32 $2.771281240e+01, v13  }
0xbd: {  	s20 =	sadd.s32 s19, s3;
	v57 =	vld [tilespmem:s15+$0x0];
	s5 =	sadd.s32 s16, s13;
	[tilespmem:s1+$0x0] =	vst v14;
	v56 =	vadd.f32 v12, v7  }
0xbe: {  	s23 =	sadd.s32 s19, s11;
	s24 =	sadd.s32 s18, s20;
	v14 =	vld [tilespmem:s5+$0x0];
	v13 =	vadd.f32 v13, v8  }
0xbf: {  	s3 =	sadd.s32 s21, s20;
	s25 =	sadd.s32 s18, s23;
	[tilespmem:s24+$0x0] =	vst v56  }
0xc0: {  	v9 =	vmul.f32 $2.771281240e+01, v9;
	s1 =	sadd.s32 s21, s23;
	[tilespmem:s3+$0x0] =	vst v13;
	v11 =	vld [tilespmem:s25+$0x0]  }
0xc1: {  	v13 =	vld [tilespmem:s1+$0x0]  }
0xc2: {  	s26 =	sadd.s32 s2, s22;
	v3 =	vadd.f32 v9, v3;
	v58 =	vmul.f32 $2.771281240e+01, v57  }
0xc3: {  	s0 =	sadd.s32 s0, s26;
	v59 =	vmul.f32 $2.771281240e+01, v14  }
0xc4: {  	s10 =	sadd.s32 $0x1, s10;
	s28 =	sadd.s32 s31, s22;
	v10 =	vmul.f32 $2.771281240e+01, v10;
	[tilespmem:s0+$0x0] =	vst v3;
	v3 =	vadd.f32 v58, v6  }
0xc5: {  	p0 =	sne.s32 s10, $0x8;
	s29 =	sadd.s32 s17, s28;
	v61 =	vadd.f32 v59, v5;
	v60 =	vmul.f32 $2.771281240e+01, v11  }
.Ltmp3:
0xc6: {  	v4 =	vadd.f32 v10, v4;
	s0 =	sadd.s32 s16, s28;
	[tilespmem:s29+$0x0] =	vst v3;
	v62 =	vmul.f32 $2.771281240e+01, v13;
	(pc) =	sbr.rel @p0 .LBB2_3-.Ltmp3, $4  }
0xc7: {  	s1 =	sadd.s32 s30, s26;
	s30 =	sadd.s32 s19, s22;
	[tilespmem:s0+$0x0] =	vst v61;
	v3 =	vadd.f32 v60, v7  }
0xc8: {  	[tilespmem:s1+$0x0] =	vst v4;
	s31 =	sadd.s32 s18, s30;
	v63 =	vadd.f32 v62, v8  }
0xc9: {  	s1 =	sadd.s32 s21, s30;
	[tilespmem:s31+$0x0] =	vst v3  }
0xca: {  	[tilespmem:s1+$0x0] =	vst v63  }
0xcb: {  	s4 =	rddreg [dreg:$0x10]  }
0xcc: {  	s1 =	rddreg [dreg:$0x8];
	s0 =	sshll.u32 s4, $0x4  }
0xcd: {  	s0 =	sor.u32 s1, s0  }
0xce: {  	s0 =	sshrl.u32 s0, $0x3  }
0xcf: {  	s25 =	smul.u32 $0x300, s0  }
0xd0: {  	s26 =	rddreg [dreg:$0x3];
	s28 =	simm.s32 $0x1800  }
0xd1: {  	s2 =	simm.s32 $0x180000;
	s3 =	simm.s32 $0xF100;
	s0 =	sadd.s32 s26, s25  }
0xd2: {  	[hbm4b:s0+s28] =	stream.strided.scatter [tilespmem:s3], [sflag:$0x3], $0x6000, s2, s28, $0x38;
	[tilespmem:$0x1B100] =	vst v63  }
0xd3: {  	p0 =	seq.s32 s4, $0x3;
	s0 =	rddreg [dreg:$0x11]  }
0xd4: {  	s0 =	sadd.s32 @!p0 $0x2, s0  }
0xd5: {  	s1 =	sshll.u32 @!p0 s0, $0x5  }
0xd6: {  	s1 =	sand.u32 @!p0 $0x3FFFFFE0, s1  }
0xd7: {  	v3 =	vld @!p0 [tilespmem:s1+$0x0];
	_ =	sdelay $0x4  }
0xd8: {  	v4 =	vshrl.u32 @!p0 v3, $0x3  }
0xd9: {  	v4 =	vmul.u32 @!p0 $0x30, v4  }
0xda: {  	v5 =	vlaneseq.u32 @!p0;
	v3 =	vand.u32 @!p0 $0x7, v3  }
0xdb: {  	v6 =	vshrl.u32 @!p0 v5, $0x3;
	v3 =	vor.u32 @!p0 v3, v4;
	v4 =	vand.u32 @!p0 $0x7, v5  }
0xdc: {  	v6 =	vmul.u32 @!p0 $0x8, v6;
	v7 =	vperm.xlane @!p0 v3, v4;
	_ =	sdelay $0x1  }
0xdd: {  	v7 =	vadd.s32 @!p0 v6, v7;
	_ =	sdelay $0x2  }
0xde: {  	v5 =	vor.u32 @!p0 $0x8, v5  }
0xdf: {  	s4 =	rddreg [dreg:$0x1];
	vm1 =	vmmov @!p0 $0xffff;
	s2 =	simm.s32 @!p0 $0x0;
	s3 =	simm.s32 @!p0 $0x100;
	v3 =	vperm.xlane @!p0 v3, v5  }
0xe0: {  	[tilespmem:s3], [sflag:$0x1] =	stream.indirect_vreg.gather @!p0 [hbm4b:s4+s2], $0x80, v7, vm1, $0xb8;
	[tilespmem:$0x1B100] =	vst v63  }
0xe1: {  	v3 =	vadd.s32 @!p0 v6, v3;
	s3 =	simm.s32 @!p0 $0x900  }
0xe2: {  	[tilespmem:s3], [sflag:$0x1] =	stream.indirect_vreg.gather @!p0 [hbm4b:s8+s2], $0x80, v7, vm1, $0xb8;
	[tilespmem:$0x1B100] =	vst v63  }
0xe3: {  	s3 =	simm.s32 @!p0 $0x1100  }
0xe4: {  	[tilespmem:s3], [sflag:$0x1] =	stream.indirect_vreg.gather @!p0 [hbm4b:s9+s2], $0x80, v7, vm1, $0xb8;
	[tilespmem:$0x1B100] =	vst v63  }
0xe5: {  	s3 =	simm.s32 @!p0 $0x1900  }
0xe6: {  	[tilespmem:s3], [sflag:$0x1] =	stream.indirect_vreg.gather @!p0 [hbm4b:s4+s2], $0x80, v3, vm1, $0xb8;
	[tilespmem:$0x1B100] =	vst v63  }
0xe7: {  	s3 =	simm.s32 @!p0 $0x2100  }
0xe8: {  	[tilespmem:s3], [sflag:$0x1] =	stream.indirect_vreg.gather @!p0 [hbm4b:s8+s2], $0x80, v3, vm1, $0xb8;
	[tilespmem:$0x1B100] =	vst v63  }
0xe9: {  	s3 =	simm.s32 @!p0 $0x2900  }
0xea: {  	[tilespmem:s3], [sflag:$0x1] =	stream.indirect_vreg.gather @!p0 [hbm4b:s9+s2], $0x80, v3, vm1, $0xb8;
	[tilespmem:$0x1B100] =	vst v63  }
0xeb: {  	v3 =	vld @!p0 [tilespmem:s1+$0x10];
	_ =	sdelay $0x4  }
0xec: {  	v7 =	vshrl.u32 @!p0 v3, $0x3  }
0xed: {  	v7 =	vmul.u32 @!p0 $0x30, v7  }
0xee: {  	v3 =	vand.u32 @!p0 $0x7, v3  }
0xef: {  	v3 =	vor.u32 @!p0 v3, v7  }
0xf0: {  	v4 =	vperm.xlane @!p0 v3, v4;
	_ =	sdelay $0x1  }
0xf1: {  	v4 =	vadd.s32 @!p0 v6, v4;
	_ =	sdelay $0x3  }
0xf2: {  	s1 =	simm.s32 @!p0 $0x3100;
	v3 =	vperm.xlane @!p0 v3, v5  }
0xf3: {  	[tilespmem:s1], [sflag:$0x1] =	stream.indirect_vreg.gather @!p0 [hbm4b:s4+s2], $0x80, v4, vm1, $0xb8;
	[tilespmem:$0x1B100] =	vst v63  }
0xf4: {  	v3 =	vadd.s32 @!p0 v6, v3;
	s1 =	simm.s32 @!p0 $0x3900  }
0xf5: {  	[tilespmem:s1], [sflag:$0x1] =	stream.indirect_vreg.gather @!p0 [hbm4b:s8+s2], $0x80, v4, vm1, $0xb8;
	[tilespmem:$0x1B100] =	vst v63  }
0xf6: {  	s1 =	simm.s32 @!p0 $0x4100  }
0xf7: {  	[tilespmem:s1], [sflag:$0x1] =	stream.indirect_vreg.gather @!p0 [hbm4b:s9+s2], $0x80, v4, vm1, $0xb8;
	[tilespmem:$0x1B100] =	vst v63  }
0xf8: {  	s1 =	simm.s32 @!p0 $0x4900  }
0xf9: {  	[tilespmem:s1], [sflag:$0x1] =	stream.indirect_vreg.gather @!p0 [hbm4b:s4+s2], $0x80, v3, vm1, $0xb8;
	[tilespmem:$0x1B100] =	vst v63  }
0xfa: {  	s1 =	simm.s32 @!p0 $0x5100  }
0xfb: {  	[tilespmem:s1], [sflag:$0x1] =	stream.indirect_vreg.gather @!p0 [hbm4b:s8+s2], $0x80, v3, vm1, $0xb8;
	[tilespmem:$0x1B100] =	vst v63  }
0xfc: {  	s1 =	rddreg [dreg:$0xc]  }
0xfd: {  	s0 =	sadd.s32 @!p0 s1, s0  }
0xfe: {  	s1 =	simm.s32 @!p0 $0x5900;
	s0 =	smul.u32 @!p0 $0x300, s0  }
0xff: {  	[tilespmem:s1], [sflag:$0x1] =	stream.indirect_vreg.gather @!p0 [hbm4b:s9+s2], $0x80, v3, vm1, $0xb8;
	[tilespmem:$0x1B100] =	vst v63  }
0x100: {  	s29 =	simm.s32 $0x1;
	s1 =	rddreg [dreg:$0x2]  }
0x101: {  	[dreg:$0x12] =	wrdreg s25;
	s0 =	sadd.s32 @!p0 s1, s0;
	s1 =	simm.s32 @!p0 $0xC100  }
0x102: {  	[tilespmem:s1], [sflag:$0x2] =	stream.linear.gather @!p0 [hbm4b:s0+s2], $0x1800, $0x38;
	[tilespmem:$0x1B100] =	vst v63  }
0x103: {  	_ =	swait.ge [sflag:s29], $0x6000  }
0x104: {  	[sflag:s29] =	ssyncset.done $0x0  }
0x105: {  	s31 =	simm.s32 $0x2;
	[sflag:s29] =	ssyncadd.s32 $0xFFFFA000  }
0x106: {  	_ =	swait.ge [sflag:s31], $0x1800  }
0x107: {  	[sflag:s31] =	ssyncset.done $0x0  }
0x108: {  	s0 =	simm.s32 @!p1 $0x3;
	[sflag:s31] =	ssyncadd.s32 $0xFFFFE800  }
0x109: {  	_ =	swait.ge @!p1 [sflag:s0], $0x6000  }
0x10a: {  	[sflag:s0] =	ssyncset.done @!p1 $0x0  }
0x10b: {  	s30 =	simm.s32 $0x0;
	s4 =	simm.s32 $0x0;
	[sflag:s0] =	ssyncadd.s32 @!p1 $0xFFFFA000  }
.LBB2_7:
0x10c: {  	s17 =	sshll.u32 s30, $0x7  }
0x10d: {  	s7 =	simm.s32 $0x0;
	s0 =	sadd.s32 $0xD900, s17  }
0x10e: {  	s3 =	sand.u32 $0x1C00, s4;
	s6 =	sadd.s32 $0x7900, s17;
	[dreg:$0x5] =	wrdreg s0  }
0x10f: {  	s31 =	sand.u32 $0x60, s7;
	s10 =	sadd.s32 $0x16900, s17;
	[dreg:$0x6] =	wrdreg s6  }
0x110: {  	s2 =	sor.u32 s17, s3;
	s23 =	sor.u32 $0x10, s31;
	[dreg:$0x7] =	wrdreg s10  }
0x111: {  	s1 =	rddreg [dreg:$0x5];
	s11 =	sor.u32 s23, s2  }
0x112: {  	s1 =	sadd.s32 s3, s1;
	v3 =	vld [tilespmem:s11+$0x6100]  }
0x113: {  	s5 =	sadd.s32 s23, s1  }
0x114: {  	v9 =	vld [tilespmem:s5+$0x0];
	_ =	sdelay $0x1  }
0x115: {  	s2 =	sor.u32 s31, s2  }
0x116: {  	v4 =	vld [tilespmem:s2+$0x6100];
	v5 =	vmul.f32 $2.771281240e+01, v3  }
0x117: {  	s1 =	sadd.s32 s31, s1  }
0x118: {  	s12 =	rddreg [dreg:$0x6];
	v3 =	vld [tilespmem:s1+$0x0];
	v5 =	vadd.f32 v5, v9  }
0x119: {  	s13 =	sadd.s32 s3, s12  }
0x11a: {  	s14 =	sadd.s32 s23, s13;
	[tilespmem:s11+$0x15100] =	vst v5  }
0x11b: {  	v4 =	vmul.f32 $2.771281240e+01, v4;
	v5 =	vld [tilespmem:s14+$0x0];
	_ =	sdelay $0x1  }
0x11c: {  	s15 =	simm.s32 $0x100;
	s16 =	simm.s32 $0x20;
	v4 =	vadd.f32 v4, v3  }
0x11d: {  	s16 =	sand.u32 $0x60, s16;
	s0 =	sand.u32 $0x1C00, s15  }
0x11e: {  	s18 =	sor.u32 s17, s0;
	s1 =	sadd.s32 s31, s13;
	[tilespmem:s2+$0x15100] =	vst v4;
	s2 =	sor.u32 $0x10, s16  }
0x11f: {  	s6 =	rddreg [dreg:$0x5];
	s12 =	sor.u32 s2, s18;
	v6 =	vld [tilespmem:s1+$0x0];
	v4 =	vmul.f32 $2.771281240e+01, v5  }
0x120: {  	s19 =	sadd.s32 s0, s6;
	s5 =	sor.u32 s16, s18;
	s7 =	rddreg [dreg:$0x7];
	v7 =	vld [tilespmem:s12+$0x6100]  }
0x121: {  	s24 =	sadd.s32 $0x9100, s17;
	v8 =	vld [tilespmem:s5+$0x6100];
	s6 =	sadd.s32 s2, s19;
	s7 =	sadd.s32 s3, s7;
	v10 =	vadd.f32 v4, v9  }
0x122: {  	s20 =	sadd.s32 s3, s24;
	s1 =	sadd.s32 s16, s19;
	v5 =	vld [tilespmem:s6+$0x0];
	s11 =	sadd.s32 s23, s7  }
0x123: {  	s22 =	sadd.s32 s23, s20;
	v4 =	vld [tilespmem:s1+$0x0];
	[tilespmem:s11+$0x0] =	vst v10  }
0x124: {  	v6 =	vmul.f32 $2.771281240e+01, v6;
	v10 =	vld [tilespmem:s22+$0x0]  }
0x125: {  	v7 =	vmul.f32 $2.771281240e+01, v7  }
0x126: {  	s29 =	simm.s32 $0x200;
	s21 =	sadd.s32 $0xA900, s17;
	s25 =	rddreg [dreg:$0x6];
	v8 =	vmul.f32 $2.771281240e+01, v8;
	v6 =	vadd.f32 v6, v3  }
0x127: {  	s28 =	sadd.s32 s0, s25;
	s13 =	rddreg [dreg:$0x5];
	s26 =	sadd.s32 s31, s7;
	v7 =	vadd.f32 v7, v5  }
0x128: {  	s14 =	sadd.s32 s16, s28;
	s6 =	sadd.s32 s31, s20;
	s11 =	simm.s32 $0x40;
	[tilespmem:s26+$0x0] =	vst v6;
	v6 =	vadd.f32 v8, v4  }
0x129: {  	s10 =	sadd.s32 s2, s28;
	s19 =	sand.u32 $0x1C00, s29;
	s18 =	sand.u32 $0x60, s11;
	[tilespmem:s12+$0x15100] =	vst v7;
	v7 =	vld [tilespmem:s6+$0x0];
	v8 =	vmul.f32 $2.771281240e+01, v10  }
0x12a: {  	s22 =	sadd.s32 $0x18100, s17;
	s20 =	sor.u32 $0x10, s18;
	s6 =	sor.u32 s17, s19;
	[tilespmem:s5+$0x15100] =	vst v6;
	v10 =	vld [tilespmem:s10+$0x0]  }
0x12b: {  	s15 =	sadd.s32 s19, s13;
	s25 =	sadd.s32 s3, s22;
	s12 =	sor.u32 s20, s6;
	v11 =	vld [tilespmem:s14+$0x0];
	v8 =	vadd.f32 v8, v9  }
0x12c: {  	s28 =	sadd.s32 s3, s21;
	s26 =	sadd.s32 s20, s15;
	v12 =	vld [tilespmem:s12+$0x6100];
	s14 =	sadd.s32 s23, s25  }
0x12d: {  	s29 =	sadd.s32 s23, s28;
	v6 =	vld [tilespmem:s26+$0x0];
	[tilespmem:s14+$0x0] =	vst v8  }
0x12e: {  	v7 =	vmul.f32 $2.771281240e+01, v7;
	v13 =	vld [tilespmem:s29+$0x0]  }
0x12f: {  	s6 =	sor.u32 s18, s6;
	v8 =	vmul.f32 $2.771281240e+01, v10  }
0x130: {  	s10 =	rddreg [dreg:$0x7];
	v14 =	vld [tilespmem:s6+$0x6100];
	v10 =	vadd.f32 v7, v3;
	v11 =	vmul.f32 $2.771281240e+01, v11  }
0x131: {  	s1 =	sadd.s32 s31, s25;
	s5 =	sadd.s32 s18, s15;
	s14 =	sadd.s32 s0, s10;
	v12 =	vmul.f32 $2.771281240e+01, v12;
	v8 =	vadd.f32 v8, v5  }
0x132: {  	s13 =	sadd.s32 s31, s28;
	s26 =	sadd.s32 s0, s24;
	v7 =	vld [tilespmem:s5+$0x0];
	s15 =	sadd.s32 s2, s14;
	[tilespmem:s1+$0x0] =	vst v10;
	v11 =	vadd.f32 v11, v4  }
0x133: {  	s25 =	rddreg [dreg:$0x6];
	s28 =	sadd.s32 s16, s14;
	s29 =	sadd.s32 s2, s26;
	v15 =	vadd.f32 v12, v6;
	[tilespmem:s15+$0x0] =	vst v8;
	v8 =	vld [tilespmem:s13+$0x0];
	v13 =	vmul.f32 $2.771281240e+01, v13  }
0x134: {  	s7 =	sadd.s32 $0x19900, s17;
	s25 =	sadd.s32 s19, s25;
	s5 =	sadd.s32 s16, s26;
	[tilespmem:s28+$0x0] =	vst v11;
	v10 =	vld [tilespmem:s29+$0x0]  }
0x135: {  	s3 =	sadd.s32 s3, s7;
	s14 =	simm.s32 $0x300;
	v12 =	vmul.f32 $2.771281240e+01, v14;
	[tilespmem:s12+$0x15100] =	vst v15;
	s12 =	sadd.s32 s20, s25;
	v11 =	vld [tilespmem:s5+$0x0];
	v9 =	vadd.f32 v13, v9  }
.LBB2_8:
0x136: {  	_ = 	snop  }
0x137: {  	s11 =	sadd.s32 $0x20, s11  }
0x138: {  	s1 =	rddreg [dreg:$0x5];
	s5 =	sadd.s32 s23, s3;
	s23 =	sand.u32 $0x1C00, s14;
	v12 =	vadd.f32 v12, v7  }
0x139: {  	v13 =	vld [tilespmem:s12+$0x0];
	s13 =	sadd.s32 s18, s25;
	s15 =	rddreg [dreg:$0x7];
	s28 =	sand.u32 $0x60, s11;
	[tilespmem:s5+$0x0] =	vst v9;
	v8 =	vmul.f32 $2.771281240e+01, v8;
	v10 =	vmul.f32 $2.771281240e+01, v10  }
0x13a: {  	s26 =	sadd.s32 s0, s21;
	s5 =	sor.u32 s17, s23;
	s12 =	sor.u32 $0x10, s28;
	[tilespmem:s6+$0x15100] =	vst v12  }
0x13b: {  	s1 =	sadd.s32 s23, s1;
	s29 =	sor.u32 s12, s5;
	v9 =	vld [tilespmem:s13+$0x0];
	s13 =	sadd.s32 s0, s22;
	v8 =	vadd.f32 v8, v3;
	v3 =	vmovc v4;
	v4 =	vmov v7;
	v7 =	vadd.f32 v10, v5  }
0x13c: {  	p1 =	slt.u32 s11, $0x2E0;
	s25 =	sadd.s32 s12, s1;
	s10 =	sadd.s32 s2, s13;
	v10 =	vld [tilespmem:s29+$0x6100]  }
0x13d: {  	s1 =	sadd.s32 s28, s1;
	s6 =	sor.u32 s28, s5;
	v11 =	vmul.f32 $2.771281240e+01, v11;
	v14 =	vld [tilespmem:s25+$0x0];
	s25 =	sadd.s32 s2, s26;
	[tilespmem:s10+$0x0] =	vst v7  }
0x13e: {  	v12 =	vmul.f32 $2.771281240e+01, v13;
	s10 =	sadd.s32 s16, s13;
	s13 =	sadd.s32 s16, s26;
	s26 =	sadd.s32 s19, s15;
	v13 =	vld [tilespmem:s25+$0x0]  }
0x13f: {  	v11 =	vadd.f32 v11, v3;
	s25 =	sadd.s32 s31, s3;
	s31 =	smov.u32 s16;
	s15 =	sadd.s32 s18, s26  }
0x140: {  	v15 =	vld [tilespmem:s6+$0x6100];
	v12 =	vadd.f32 v12, v6;
	v9 =	vmul.f32 $2.771281240e+01, v9;
	s16 =	sadd.s32 s19, s24;
	s5 =	sadd.s32 s20, s26;
	[tilespmem:s25+$0x0] =	vst v8;
	s25 =	rddreg [dreg:$0x6]  }
.Ltmp4:
0x141: {  	s26 =	sadd.s32 s18, s16;
	s3 =	sadd.s32 s20, s16;
	v7 =	vld [tilespmem:s1+$0x0];
	[tilespmem:s10+$0x0] =	vst v11;
	v11 =	vmul.f32 $2.771281240e+01, v10;
	(pc) =	sbr.rel @p1 .LBB2_8-.Ltmp4, $4  }
0x142: {  	[tilespmem:s5+$0x0] =	vst v12;
	s16 =	smov.u32 s18;
	s18 =	smov.u32 s28;
	s28 =	smov.u32 s0;
	v9 =	vadd.f32 v9, v4  }
0x143: {  	s0 =	smov.u32 s19;
	s19 =	smov.u32 s23;
	s23 =	smov.u32 s2;
	v10 =	vld [tilespmem:s3+$0x0];
	v11 =	vadd.f32 v11, v14;
	v13 =	vmul.f32 $2.771281240e+01, v13  }
0x144: {  	s2 =	smov.u32 s20;
	s20 =	smov.u32 s12;
	s25 =	sadd.s32 s19, s25;
	v8 =	vld [tilespmem:s13+$0x0];
	[tilespmem:s15+$0x0] =	vst v9  }
0x145: {  	s14 =	sadd.s32 $0x100, s14;
	v12 =	vmul.f32 $2.771281240e+01, v15;
	s3 =	sadd.s32 s28, s7;
	s12 =	sadd.s32 s20, s25;
	[tilespmem:s29+$0x15100] =	vst v11;
	v11 =	vld [tilespmem:s26+$0x0];
	v9 =	vadd.f32 v13, v5;
	v5 =	vmovc v6;
	v6 =	vmov v14  }
0x146: {  	_ = 	snop  }
0x147: {  	v12 =	vadd.f32 v12, v7;
	_ =	sdelay $0x1  }
0x148: {  	v13 =	vld [tilespmem:s12+$0x0];
	s1 =	sadd.s32 s18, s25;
	[tilespmem:s6+$0x15100] =	vst v12  }
0x149: {  	v12 =	vld [tilespmem:s1+$0x0];
	_ =	sdelay $0x3  }
0x14a: {  	v13 =	vmul.f32 $2.771281240e+01, v13  }
0x14b: {  	s28 =	rddreg [dreg:$0x7];
	v12 =	vmul.f32 $2.771281240e+01, v12  }
0x14c: {  	s1 =	sadd.s32 s19, s28;
	v13 =	vadd.f32 v13, v6  }
0x14d: {  	s5 =	sadd.s32 s19, s24;
	s29 =	sadd.s32 s20, s1;
	v12 =	vadd.f32 v12, v7  }
0x14e: {  	s10 =	sadd.s32 s20, s5;
	s1 =	sadd.s32 s18, s1;
	[tilespmem:s29+$0x0] =	vst v13  }
0x14f: {  	s5 =	sadd.s32 s18, s5;
	v13 =	vld [tilespmem:s10+$0x0];
	[tilespmem:s1+$0x0] =	vst v12  }
0x150: {  	v12 =	vld [tilespmem:s5+$0x0];
	_ =	sdelay $0x1  }
0x151: {  	v10 =	vmul.f32 $2.771281240e+01, v10  }
0x152: {  	v11 =	vmul.f32 $2.771281240e+01, v11  }
0x153: {  	s11 =	sadd.s32 s0, s22;
	v10 =	vadd.f32 v10, v5;
	v13 =	vmul.f32 $2.771281240e+01, v13  }
0x154: {  	s12 =	sadd.s32 s0, s21;
	s13 =	sadd.s32 s2, s11;
	v11 =	vadd.f32 v11, v4;
	v12 =	vmul.f32 $2.771281240e+01, v12  }
0x155: {  	s14 =	sadd.s32 s2, s12;
	[tilespmem:s13+$0x0] =	vst v10;
	s10 =	sadd.s32 s19, s22;
	s1 =	sadd.s32 s16, s11;
	v55 =	vadd.f32 v13, v6  }
0x156: {  	s15 =	sadd.s32 s19, s21;
	v56 =	vld [tilespmem:s14+$0x0];
	s17 =	sadd.s32 s20, s10;
	s5 =	sadd.s32 s16, s12;
	[tilespmem:s1+$0x0] =	vst v11;
	v57 =	vadd.f32 v12, v7  }
0x157: {  	s21 =	sadd.s32 s20, s15;
	s22 =	sadd.s32 s18, s10;
	v58 =	vld [tilespmem:s5+$0x0];
	[tilespmem:s17+$0x0] =	vst v55  }
0x158: {  	s1 =	sadd.s32 s18, s15;
	v10 =	vld [tilespmem:s21+$0x0];
	[tilespmem:s22+$0x0] =	vst v57  }
0x159: {  	v11 =	vld [tilespmem:s1+$0x0]  }
0x15a: {  	v8 =	vmul.f32 $2.771281240e+01, v8  }
0x15b: {  	v13 =	vmul.f32 $2.771281240e+01, v56  }
0x15c: {  	s23 =	sadd.s32 s23, s3;
	s30 =	sadd.s32 $0x1, s30;
	v3 =	vadd.f32 v8, v3;
	v59 =	vmul.f32 $2.771281240e+01, v58  }
0x15d: {  	s24 =	sadd.s32 s31, s3;
	s25 =	sadd.s32 s0, s7;
	[tilespmem:s23+$0x0] =	vst v9;
	p1 =	sne.s32 s30, $0x8;
	v60 =	vadd.f32 v13, v5;
	v61 =	vmul.f32 $2.771281240e+01, v10  }
.Ltmp5:
0x15e: {  	s26 =	sadd.s32 s2, s25;
	[tilespmem:s24+$0x0] =	vst v3;
	v3 =	vadd.f32 v59, v4;
	v62 =	vmul.f32 $2.771281240e+01, v11;
	(pc) =	sbr.rel @p1 .LBB2_7-.Ltmp5, $4  }
0x15f: {  	s0 =	sadd.s32 s16, s25;
	s28 =	sadd.s32 s19, s7;
	[tilespmem:s26+$0x0] =	vst v60;
	v63 =	vadd.f32 v61, v6  }
0x160: {  	s29 =	sadd.s32 s20, s28;
	[tilespmem:s0+$0x0] =	vst v3;
	v3 =	vadd.f32 v62, v7  }
0x161: {  	s31 =	sadd.s32 s18, s28;
	[tilespmem:s29+$0x0] =	vst v63  }
0x162: {  	[tilespmem:s31+$0x0] =	vst v3  }
.Ltmp6:
0x163: {  	(pc) =	sbr.rel @p0 .LBB2_12-.Ltmp6, $4  }
0x164: {  	s0 =	rddreg [dreg:$0xe]  }
0x165: {  	s1 =	rddreg [dreg:$0x12];
	s31 =	simm.s32 $0x1800  }
0x166: {  	s2 =	simm.s32 $0x180000;
	s3 =	simm.s32 $0x15100;
	s0 =	sadd.s32 s0, s1  }
0x167: {  	[hbm4b:s0+s31] =	stream.strided.scatter [tilespmem:s3], [sflag:$0x3], $0x6000, s2, s31, $0x38;
	[tilespmem:$0x1B100] =	vst v63  }
0x168: {  	s0 =	rddreg [dreg:$0x11]  }
0x169: {  	s0 =	sadd.s32 $0x3, s0  }
0x16a: {  	s1 =	sshll.u32 s0, $0x5  }
0x16b: {  	s1 =	sand.u32 $0x3FFFFFE0, s1  }
0x16c: {  	v3 =	vld [tilespmem:s1+$0x0];
	_ =	sdelay $0x4  }
0x16d: {  	v4 =	vshrl.u32 v3, $0x3  }
0x16e: {  	v4 =	vmul.u32 $0x30, v4  }
0x16f: {  	v3 =	vand.u32 $0x7, v3  }
0x170: {  	v3 =	vor.u32 v3, v4  }
0x171: {  	v4 =	vperm.xlane v3, v0;
	_ =	sdelay $0x1  }
0x172: {  	v4 =	vadd.s32 v1, v4;
	_ =	sdelay $0x3  }
0x173: {  	s2 =	rddreg [dreg:$0x1];
	s3 =	simm.s32 $0x0;
	s4 =	simm.s32 $0x6100;
	v3 =	vperm.xlane v3, v2  }
0x174: {  	[tilespmem:s4], [sflag:$0x1] =	stream.indirect_vreg.gather [hbm4b:s2+s3], $0x80, v4, vm0, $0xb8;
	[tilespmem:$0x1B100] =	vst v63  }
0x175: {  	s16 =	simm.s32 $0x6900;
	v3 =	vadd.s32 v1, v3  }
0x176: {  	[tilespmem:s16], [sflag:$0x1] =	stream.indirect_vreg.gather [hbm4b:s8+s3], $0x80, v4, vm0, $0xb8;
	[tilespmem:$0x1B100] =	vst v63  }
0x177: {  	s17 =	simm.s32 $0x7100  }
0x178: {  	[tilespmem:s17], [sflag:$0x1] =	stream.indirect_vreg.gather [hbm4b:s9+s3], $0x80, v4, vm0, $0xb8;
	[tilespmem:$0x1B100] =	vst v63  }
0x179: {  	s18 =	simm.s32 $0x7900  }
0x17a: {  	[tilespmem:s18], [sflag:$0x1] =	stream.indirect_vreg.gather [hbm4b:s2+s3], $0x80, v3, vm0, $0xb8;
	[tilespmem:$0x1B100] =	vst v63  }
0x17b: {  	s19 =	simm.s32 $0x8100  }
0x17c: {  	[tilespmem:s19], [sflag:$0x1] =	stream.indirect_vreg.gather [hbm4b:s8+s3], $0x80, v3, vm0, $0xb8;
	[tilespmem:$0x1B100] =	vst v63  }
0x17d: {  	s20 =	simm.s32 $0x8900  }
0x17e: {  	[tilespmem:s20], [sflag:$0x1] =	stream.indirect_vreg.gather [hbm4b:s9+s3], $0x80, v3, vm0, $0xb8;
	[tilespmem:$0x1B100] =	vst v63  }
0x17f: {  	v3 =	vld [tilespmem:s1+$0x10];
	_ =	sdelay $0x4  }
0x180: {  	v63 =	vshrl.u32 v3, $0x3  }
0x181: {  	v4 =	vmul.u32 $0x30, v63  }
0x182: {  	v3 =	vand.u32 $0x7, v3  }
0x183: {  	v3 =	vor.u32 v3, v4  }
0x184: {  	v4 =	vperm.xlane v3, v0;
	_ =	sdelay $0x1  }
0x185: {  	v4 =	vadd.s32 v1, v4;
	_ =	sdelay $0x3  }
0x186: {  	s21 =	simm.s32 $0x9100;
	v3 =	vperm.xlane v3, v2  }
0x187: {  	[tilespmem:s21], [sflag:$0x1] =	stream.indirect_vreg.gather [hbm4b:s2+s3], $0x80, v4, vm0, $0xb8;
	[tilespmem:$0x1B100] =	vst v63  }
0x188: {  	s22 =	simm.s32 $0x9900;
	v3 =	vadd.s32 v1, v3  }
0x189: {  	[tilespmem:s22], [sflag:$0x1] =	stream.indirect_vreg.gather [hbm4b:s8+s3], $0x80, v4, vm0, $0xb8;
	[tilespmem:$0x1B100] =	vst v63  }
0x18a: {  	s23 =	simm.s32 $0xA100  }
0x18b: {  	[tilespmem:s23], [sflag:$0x1] =	stream.indirect_vreg.gather [hbm4b:s9+s3], $0x80, v4, vm0, $0xb8;
	[tilespmem:$0x1B100] =	vst v63  }
0x18c: {  	s24 =	simm.s32 $0xA900  }
0x18d: {  	[tilespmem:s24], [sflag:$0x1] =	stream.indirect_vreg.gather [hbm4b:s2+s3], $0x80, v3, vm0, $0xb8;
	[tilespmem:$0x1B100] =	vst v63  }
0x18e: {  	s25 =	simm.s32 $0xB100;
	s26 =	rddreg [dreg:$0xc]  }
0x18f: {  	[tilespmem:s25], [sflag:$0x1] =	stream.indirect_vreg.gather [hbm4b:s8+s3], $0x80, v3, vm0, $0xb8;
	[tilespmem:$0x1B100] =	vst v63  }
.Ltmp7:
0x190: {  	s29 =	rddreg [dreg:$0x2];
	s0 =	sadd.s32 s26, s0;
	(pc) =	sbr.rel .LBB2_2-.Ltmp7, $4  }
0x191: {  	s28 =	simm.s32 $0xB900;
	s31 =	rddreg [dreg:$0x10];
	s0 =	smul.u32 $0x300, s0  }
0x192: {  	[tilespmem:s28], [sflag:$0x1] =	stream.indirect_vreg.gather [hbm4b:s9+s3], $0x80, v3, vm0, $0xb8;
	[tilespmem:$0x1B100] =	vst v63  }
0x193: {  	s30 =	simm.s32 $0xD900;
	s0 =	sadd.s32 s29, s0;
	s1 =	sadd.s32 $0x1, s31  }
0x194: {  	[tilespmem:s30], [sflag:$0x2] =	stream.linear.gather [hbm4b:s0+s3], $0x1800, $0x38;
	[tilespmem:$0x1B100] =	vst v63  }
.LBB2_13:
0x195: {  	_ =	sfence.sel $0x180000  }
0x196: {  	[bflag:$0x0] =	sbarrier.arrive $0xFFFF  }
0x197: {  	_ =	strace $0x90000047  }
0x198: {  	s0 =	stileid.u32;
	[bflag:$0x2] =	sbarrier.arrive $0xFFFF  }
0x199: {  	p0 =	sne.s32 s0, $0x0;
	s0 =	rddreg [dreg:$0x4]  }
0x19a: {  	s0 =	sadd.s32 @!p0 $0x100000, s0  }
0x19b: {  	[sflag:s0] =	ssyncadd.tile.s32 @!p0 $0x1;
	_ =	shalt  }
.Lfunc_end2:
_tile_overlayer_lowered:
.L_overlay_start_2:
0x19c: {  	(tag) =	ssettag $0x2  }
0x19d: {  	s0 =	rddreg [dreg:$0x0];
	s2 =	stileid.u32  }
0x19e: {  	s1 =	rddreg [dreg:$0x1];
	p0 =	sne.s32 s2, $0x0  }
0x19f: {  	s3 =	rddreg [dreg:$0x2];
	[bflag:$0x3] =	sbarrier.arrive $0xFFFF;
	s2 =	simm.s32 @!p0 $0x1C04  }
0x1a0: {  	[timem:s3], [sflag:s2] =	dma.local @!p0 [hbm:s0], s1  }
0x1a1: {  	s0 =	simm.s32 @!p0 $0x4  }
0x1a2: {  	_ =	swait.ge @!p0 [sflag:s0], s1  }
0x1a3: {  	s1 =	ssub.s32 @!p0 $0x0, s1;
	[sflag:s0] =	ssyncset.done @!p0 $0x0  }
0x1a4: {  	[sflag:s0] =	ssyncadd.s32 @!p0 s1  }
0x1a5: {  	[bflag:$0x3] =	sbarrier.arrive $0xFFFF  }
0x1a6: {  	_ =	shalt  }

</sc_bundles>
